<compile_context>
chip_gen: v7x
topology: tpu7x:2x2x1
jax: 0.10.2.dev20260603
libtpu: 0.0.44.dev20260713+nightly
codegen_flags: <defaults>
</compile_context>

<pallas_src>
import functools

import jax
import jax.numpy as jnp
from jax import lax
from jax.experimental import pallas as pl
from jax.experimental.pallas import tpu as pltpu
from jax.experimental.pallas import tpu_sc as plsc

D = 128
NUM_CORES = 2
NUM_SUBCORES = 16
NW = NUM_CORES * NUM_SUBCORES
IDX_W = 128
K = 2
NBUF = 3


def _make_gather(n_rows_total):
    rows_per_w = n_rows_total // NW
    n_steps = rows_per_w // K
    mesh = plsc.VectorSubcoreMesh(core_axis_name="c", subcore_axis_name="s")

    @functools.partial(
        pl.kernel,
        mesh=mesh,
        out_type=jax.ShapeDtypeStruct((n_rows_total * IDX_W, D), jnp.float32),
        scratch_types=[
            pltpu.VMEM((rows_per_w, IDX_W), jnp.int32),
            pltpu.VMEM((NBUF, K * IDX_W, D), jnp.float32),
        ] + [pltpu.SemaphoreType.DMA] * (2 * NBUF),
    )
    def gather_kernel(idx_hbm, table_hbm, out_hbm, idx_v, rows_v, *sems):
        wid = lax.axis_index("s") * NUM_CORES + lax.axis_index("c")
        row0 = wid * rows_per_w
        gsem = list(sems[:NBUF])
        osem = list(sems[NBUF:])

        pltpu.sync_copy(idx_hbm.at[pl.ds(row0, rows_per_w)], idx_v)

        def fire_gathers(g, b):
            for j in range(K):
                pltpu.async_copy(
                    table_hbm.at[idx_v.at[g * K + j]],
                    rows_v.at[b].at[pl.ds(j * IDX_W, IDX_W)],
                    gsem[b],
                )

        def wait_gathers(b):
            for j in range(K):
                pltpu.make_async_copy(
                    table_hbm.at[idx_v.at[0]],
                    rows_v.at[b].at[pl.ds(j * IDX_W, IDX_W)],
                    gsem[b],
                ).wait()

        def fire_out(g, b):
            pltpu.async_copy(
                rows_v.at[b],
                out_hbm.at[pl.ds((row0 + g * K) * IDX_W, K * IDX_W)],
                osem[b],
            )

        def wait_out(b):
            pltpu.make_async_copy(
                rows_v.at[b],
                out_hbm.at[pl.ds(0, K * IDX_W)],
                osem[b],
            ).wait()

        for f in range(NBUF - 1):
            fire_gathers(f, f)

        @pl.loop(0, n_steps, step=NBUF)
        def _(g_base):
            for b in range(NBUF):
                g = g_base + b
                f = g + NBUF - 1
                fb = (b + NBUF - 1) % NBUF

                @pl.when(jnp.logical_and(f >= NBUF, f < n_steps))
                def _():
                    wait_out(fb)

                @pl.when(f < n_steps)
                def _():
                    fire_gathers(f, fb)

                @pl.when(g < n_steps)
                def _():
                    wait_gathers(b)
                    fire_out(g, b)

        for b in range(NBUF):
            wait_out(b)

    return gather_kernel


def kernel(x, table):
    B, L = x.shape
    n = B * L
    idx = x.reshape(n // IDX_W, IDX_W)
    out = _make_gather(n // IDX_W)(idx, table)
    return out.reshape(B, L, D)

# --- scband reference (transcript-rebuilt; emitter-appended) ---
"""Pipeline reference for scband-embedding-22325240005041 (READ-ONLY COPY).

The authoritative reference and input builder live on the scoring server;
editing this copy changes nothing except your own understanding.
"""

import jax, jax.numpy as jnp
import numpy as np

VOCAB = 100000
EMBED_DIM = 128
B = 4096
L = 200

def setup_inputs(seed: int = 0) -> dict:
    key = jax.random.key(seed)
    k_idx, k_tab = jax.random.split(key)
    x = jax.random.randint(k_idx, (B, L), 0, VOCAB, dtype=jnp.int64 if jax.config.read('jax_enable_x64') else jnp.int32)
    table = jax.random.normal(k_tab, (VOCAB, EMBED_DIM), dtype=jnp.float32)
    return {"x": x, "table": table}

def reference(x, table):
    # nn.Embedding forward: row gather from the embedding table
    return jnp.take(table, x, axis=0)

if __name__ == "__main__":
    import jax
    _d = setup_inputs()
    print(jax.jit(kernel)(*tuple(_d.values())))

</pallas_src>

<mosaic_0001>
#map = affine_map<(d0, d1) -> (0, 0)>
module attributes {stable_mosaic.version = 14 : i64} {
  func.func @gather_kernel(%arg0: i32, %arg1: i32, %arg2: memref<6400x128xi32, #tpu.memory_space<hbm>>, %arg3: memref<100000x128xf32, #tpu.memory_space<hbm>>, %arg4: memref<819200x128xf32, #tpu.memory_space<hbm>>, %arg5: memref<200x128xi32, #tpu.memory_space<vmem>>, %arg6: memref<3x256x128xf32, #tpu.memory_space<vmem>>, %arg7: memref<!tpu.dma_semaphore, #tpu.memory_space<semaphore_mem>>, %arg8: memref<!tpu.dma_semaphore, #tpu.memory_space<semaphore_mem>>, %arg9: memref<!tpu.dma_semaphore, #tpu.memory_space<semaphore_mem>>, %arg10: memref<!tpu.dma_semaphore, #tpu.memory_space<semaphore_mem>>, %arg11: memref<!tpu.dma_semaphore, #tpu.memory_space<semaphore_mem>>, %arg12: memref<!tpu.dma_semaphore, #tpu.memory_space<semaphore_mem>>) attributes {dimension_semantics = [#tpu.dimension_semantics<core_parallel>, #tpu.dimension_semantics<subcore_parallel>], iteration_bounds = array<i64: 2, 16>, scalar_prefetch = 0 : i64, scratch_operands = 8 : i64, tpu.core_type = #tpu.core_type<sc_vector_subcore>, window_params = [{transform_indices = #map}, {transform_indices = #map}, {transform_indices = #map}]} {
    %mul3A = arith.constant 2 : i32
    %mul3A_0 = arith.muli %arg1, %mul3A : i32
    %add3A = arith.addi %mul3A_0, %arg0 : i32
    %mul3A_1 = arith.constant 200 : i32
    %mul3A_2 = arith.muli %add3A, %mul3A_1 : i32
    "tpu.region"() ({
      %run_scoped3A = tpu.sem_alloc : memref<!tpu.dma_semaphore, #tpu.memory_space<semaphore_mem>>
      %dma_start3A_110 = arith.constant 0 : i32
      %dma_start3A_111 = tpu.memref_slice %arg2[%mul3A_2, %dma_start3A_110] : memref<6400x128xi32, #tpu.memory_space<hbm>> -> memref<200x128xi32, #tpu.memory_space<hbm>>
      %dma_start3A_112 = arith.constant 0 : i32
      %dma_start3A_113 = tpu.memref_slice %arg2[%mul3A_2, %dma_start3A_112] : memref<6400x128xi32, #tpu.memory_space<hbm>> -> memref<200x128xi32, #tpu.memory_space<hbm>>
      tpu.enqueue_dma source(%dma_start3A_113 : memref<200x128xi32, #tpu.memory_space<hbm>>) target(%arg5 : memref<200x128xi32, #tpu.memory_space<vmem>>) target_semaphore(%run_scoped3A : memref<!tpu.dma_semaphore, #tpu.memory_space<semaphore_mem>>)
      %dma_wait3A_114 = arith.constant 0 : i32
      %dma_wait3A_115 = tpu.memref_slice %arg2[%mul3A_2, %dma_wait3A_114] : memref<6400x128xi32, #tpu.memory_space<hbm>> -> memref<200x128xi32, #tpu.memory_space<hbm>>
      %dma_wait3A_116 = arith.constant 0 : i32
      %dma_wait3A_117 = tpu.memref_slice %arg2[%mul3A_2, %dma_wait3A_116] : memref<6400x128xi32, #tpu.memory_space<hbm>> -> memref<200x128xi32, #tpu.memory_space<hbm>>
      tpu.wait_dma2 semaphore(%run_scoped3A : memref<!tpu.dma_semaphore, #tpu.memory_space<semaphore_mem>>) src(%dma_wait3A_117 : memref<200x128xi32, #tpu.memory_space<hbm>>) dst(%arg5 : memref<200x128xi32, #tpu.memory_space<vmem>>)
      tpu.yield
    }) : () -> ()
    %dma_start3A = arith.constant 0 : i32
    %dma_start3A_3 = arith.constant 0 : i32
    %dma_start3A_4 = arith.constant 0 : i32
    %dma_start3A_5 = arith.constant 0 : i32
    %dma_start3A_6 = tpu.memref_slice %arg6[%dma_start3A_3, %dma_start3A_4, %dma_start3A_5] : memref<3x256x128xf32, #tpu.memory_space<vmem>> -> memref<1x256x128xf32, #tpu.memory_space<vmem>>
    %dma_start3A_7 = tpu.memref_squeeze %dma_start3A_6 : memref<1x256x128xf32, #tpu.memory_space<vmem>> -> memref<256x128xf32, #tpu.memory_space<vmem>>
    %dma_start3A_8 = arith.constant 0 : i32
    %dma_start3A_9 = arith.constant 0 : i32
    %dma_start3A_10 = tpu.memref_slice %dma_start3A_7[%dma_start3A_8, %dma_start3A_9] : memref<256x128xf32, #tpu.memory_space<vmem>> -> memref<128x128xf32, #tpu.memory_space<vmem>>
    %dma_start3A_11 = arith.constant 0 : i32
    %dma_start3A_12 = tpu.memref_slice %arg5[%dma_start3A, %dma_start3A_11] : memref<200x128xi32, #tpu.memory_space<vmem>> -> memref<1x128xi32, #tpu.memory_space<vmem>>
    %dma_start3A_13 = tpu.memref_squeeze %dma_start3A_12 : memref<1x128xi32, #tpu.memory_space<vmem>> -> memref<128xi32, #tpu.memory_space<vmem>>
    %dma_start3A_14 = arith.constant 0 : i32
    %dma_start3A_15 = arith.constant 0 : i32
    %dma_start3A_16 = tpu.memref_slice %arg3[%dma_start3A_14, %dma_start3A_15] : memref<100000x128xf32, #tpu.memory_space<hbm>> -> memref<100000x128xf32, #tpu.memory_space<hbm>>
    tpu.enqueue_indirect_dma source(%dma_start3A_16 : memref<100000x128xf32, #tpu.memory_space<hbm>>) target(%dma_start3A_10 : memref<128x128xf32, #tpu.memory_space<vmem>>) offsets(%dma_start3A_13 : memref<128xi32, #tpu.memory_space<vmem>>) semaphore(%arg7 : memref<!tpu.dma_semaphore, #tpu.memory_space<semaphore_mem>>)
    %dma_start3A_17 = arith.constant 1 : i32
    %dma_start3A_18 = arith.constant 0 : i32
    %dma_start3A_19 = arith.constant 0 : i32
    %dma_start3A_20 = arith.constant 0 : i32
    %dma_start3A_21 = tpu.memref_slice %arg6[%dma_start3A_18, %dma_start3A_19, %dma_start3A_20] : memref<3x256x128xf32, #tpu.memory_space<vmem>> -> memref<1x256x128xf32, #tpu.memory_space<vmem>>
    %dma_start3A_22 = tpu.memref_squeeze %dma_start3A_21 : memref<1x256x128xf32, #tpu.memory_space<vmem>> -> memref<256x128xf32, #tpu.memory_space<vmem>>
    %dma_start3A_23 = arith.constant 128 : i32
    %dma_start3A_24 = arith.constant 0 : i32
    %dma_start3A_25 = tpu.memref_slice %dma_start3A_22[%dma_start3A_23, %dma_start3A_24] : memref<256x128xf32, #tpu.memory_space<vmem>> -> memref<128x128xf32, #tpu.memory_space<vmem>>
    %dma_start3A_26 = arith.constant 0 : i32
    %dma_start3A_27 = tpu.memref_slice %arg5[%dma_start3A_17, %dma_start3A_26] : memref<200x128xi32, #tpu.memory_space<vmem>> -> memref<1x128xi32, #tpu.memory_space<vmem>>
    %dma_start3A_28 = tpu.memref_squeeze %dma_start3A_27 : memref<1x128xi32, #tpu.memory_space<vmem>> -> memref<128xi32, #tpu.memory_space<vmem>>
    %dma_start3A_29 = arith.constant 0 : i32
    %dma_start3A_30 = arith.constant 0 : i32
    %dma_start3A_31 = tpu.memref_slice %arg3[%dma_start3A_29, %dma_start3A_30] : memref<100000x128xf32, #tpu.memory_space<hbm>> -> memref<100000x128xf32, #tpu.memory_space<hbm>>
    tpu.enqueue_indirect_dma source(%dma_start3A_31 : memref<100000x128xf32, #tpu.memory_space<hbm>>) target(%dma_start3A_25 : memref<128x128xf32, #tpu.memory_space<vmem>>) offsets(%dma_start3A_28 : memref<128xi32, #tpu.memory_space<vmem>>) semaphore(%arg7 : memref<!tpu.dma_semaphore, #tpu.memory_space<semaphore_mem>>)
    %dma_start3A_32 = arith.constant 2 : i32
    %dma_start3A_33 = arith.constant 1 : i32
    %dma_start3A_34 = arith.constant 0 : i32
    %dma_start3A_35 = arith.constant 0 : i32
    %dma_start3A_36 = tpu.memref_slice %arg6[%dma_start3A_33, %dma_start3A_34, %dma_start3A_35] : memref<3x256x128xf32, #tpu.memory_space<vmem>> -> memref<1x256x128xf32, #tpu.memory_space<vmem>>
    %dma_start3A_37 = tpu.memref_squeeze %dma_start3A_36 : memref<1x256x128xf32, #tpu.memory_space<vmem>> -> memref<256x128xf32, #tpu.memory_space<vmem>>
    %dma_start3A_38 = arith.constant 0 : i32
    %dma_start3A_39 = arith.constant 0 : i32
    %dma_start3A_40 = tpu.memref_slice %dma_start3A_37[%dma_start3A_38, %dma_start3A_39] : memref<256x128xf32, #tpu.memory_space<vmem>> -> memref<128x128xf32, #tpu.memory_space<vmem>>
    %dma_start3A_41 = arith.constant 0 : i32
    %dma_start3A_42 = tpu.memref_slice %arg5[%dma_start3A_32, %dma_start3A_41] : memref<200x128xi32, #tpu.memory_space<vmem>> -> memref<1x128xi32, #tpu.memory_space<vmem>>
    %dma_start3A_43 = tpu.memref_squeeze %dma_start3A_42 : memref<1x128xi32, #tpu.memory_space<vmem>> -> memref<128xi32, #tpu.memory_space<vmem>>
    %dma_start3A_44 = arith.constant 0 : i32
    %dma_start3A_45 = arith.constant 0 : i32
    %dma_start3A_46 = tpu.memref_slice %arg3[%dma_start3A_44, %dma_start3A_45] : memref<100000x128xf32, #tpu.memory_space<hbm>> -> memref<100000x128xf32, #tpu.memory_space<hbm>>
    tpu.enqueue_indirect_dma source(%dma_start3A_46 : memref<100000x128xf32, #tpu.memory_space<hbm>>) target(%dma_start3A_40 : memref<128x128xf32, #tpu.memory_space<vmem>>) offsets(%dma_start3A_43 : memref<128xi32, #tpu.memory_space<vmem>>) semaphore(%arg8 : memref<!tpu.dma_semaphore, #tpu.memory_space<semaphore_mem>>)
    %dma_start3A_47 = arith.constant 3 : i32
    %dma_start3A_48 = arith.constant 1 : i32
    %dma_start3A_49 = arith.constant 0 : i32
    %dma_start3A_50 = arith.constant 0 : i32
    %dma_start3A_51 = tpu.memref_slice %arg6[%dma_start3A_48, %dma_start3A_49, %dma_start3A_50] : memref<3x256x128xf32, #tpu.memory_space<vmem>> -> memref<1x256x128xf32, #tpu.memory_space<vmem>>
    %dma_start3A_52 = tpu.memref_squeeze %dma_start3A_51 : memref<1x256x128xf32, #tpu.memory_space<vmem>> -> memref<256x128xf32, #tpu.memory_space<vmem>>
    %dma_start3A_53 = arith.constant 128 : i32
    %dma_start3A_54 = arith.constant 0 : i32
    %dma_start3A_55 = tpu.memref_slice %dma_start3A_52[%dma_start3A_53, %dma_start3A_54] : memref<256x128xf32, #tpu.memory_space<vmem>> -> memref<128x128xf32, #tpu.memory_space<vmem>>
    %dma_start3A_56 = arith.constant 0 : i32
    %dma_start3A_57 = tpu.memref_slice %arg5[%dma_start3A_47, %dma_start3A_56] : memref<200x128xi32, #tpu.memory_space<vmem>> -> memref<1x128xi32, #tpu.memory_space<vmem>>
    %dma_start3A_58 = tpu.memref_squeeze %dma_start3A_57 : memref<1x128xi32, #tpu.memory_space<vmem>> -> memref<128xi32, #tpu.memory_space<vmem>>
    %dma_start3A_59 = arith.constant 0 : i32
    %dma_start3A_60 = arith.constant 0 : i32
    %dma_start3A_61 = tpu.memref_slice %arg3[%dma_start3A_59, %dma_start3A_60] : memref<100000x128xf32, #tpu.memory_space<hbm>> -> memref<100000x128xf32, #tpu.memory_space<hbm>>
    tpu.enqueue_indirect_dma source(%dma_start3A_61 : memref<100000x128xf32, #tpu.memory_space<hbm>>) target(%dma_start3A_55 : memref<128x128xf32, #tpu.memory_space<vmem>>) offsets(%dma_start3A_58 : memref<128xi32, #tpu.memory_space<vmem>>) semaphore(%arg8 : memref<!tpu.dma_semaphore, #tpu.memory_space<semaphore_mem>>)
    %scan3A = arith.constant 0 : i32
    %scan3A_62 = arith.constant 34 : i32
    %scan3A_63 = arith.addi %scan3A, %scan3A_62 : i32
    %scan3A_64 = arith.constant 1 : i32
    scf.for %scan3A_110 = %scan3A to %scan3A_63 step %scan3A_64  : i32 {
      %mul3A_111 = arith.constant 3 : i32
      %mul3A_112 = arith.muli %scan3A_110, %mul3A_111 : i32
      %add3A_113 = arith.constant 0 : i32
      %add3A_114 = arith.addi %add3A_113, %mul3A_112 : i32
      %add3A_115 = arith.constant 0 : i32
      %add3A_116 = arith.addi %add3A_114, %add3A_115 : i32
      %add3A_117 = arith.constant 3 : i32
      %add3A_118 = arith.addi %add3A_116, %add3A_117 : i32
      %sub3A = arith.constant 1 : i32
      %sub3A_119 = arith.subi %add3A_118, %sub3A : i32
      %ge3A = arith.constant 3 : i32
      %ge3A_120 = arith.cmpi sge, %sub3A_119, %ge3A : i32
      %lt3A = arith.constant 100 : i32
      %lt3A_121 = arith.cmpi slt, %sub3A_119, %lt3A : i32
      %and3A = arith.andi %ge3A_120, %lt3A_121 : i1
      %convert_element_type3A = arith.extui %and3A : i1 to i32
      %cond3A = arith.constant 0 : i32
      %cond3A_122 = arith.cmpi ne, %convert_element_type3A, %cond3A : i32
      scf.if %cond3A_122 {
        %dma_wait3A_181 = arith.constant 2 : i32
        %dma_wait3A_182 = arith.constant 0 : i32
        %dma_wait3A_183 = arith.constant 0 : i32
        %dma_wait3A_184 = tpu.memref_slice %arg6[%dma_wait3A_181, %dma_wait3A_182, %dma_wait3A_183] : memref<3x256x128xf32, #tpu.memory_space<vmem>> -> memref<1x256x128xf32, #tpu.memory_space<vmem>>
        %dma_wait3A_185 = tpu.memref_squeeze %dma_wait3A_184 : memref<1x256x128xf32, #tpu.memory_space<vmem>> -> memref<256x128xf32, #tpu.memory_space<vmem>>
        %dma_wait3A_186 = arith.constant 0 : i32
        %dma_wait3A_187 = arith.constant 0 : i32
        %dma_wait3A_188 = tpu.memref_slice %arg4[%dma_wait3A_186, %dma_wait3A_187] : memref<819200x128xf32, #tpu.memory_space<hbm>> -> memref<256x128xf32, #tpu.memory_space<hbm>>
        %dma_wait3A_189 = arith.constant 0 : i32
        %dma_wait3A_190 = arith.constant 0 : i32
        %dma_wait3A_191 = tpu.memref_slice %arg4[%dma_wait3A_189, %dma_wait3A_190] : memref<819200x128xf32, #tpu.memory_space<hbm>> -> memref<256x128xf32, #tpu.memory_space<hbm>>
        %dma_wait3A_192 = arith.constant 0 : i32
        %dma_wait3A_193 = arith.constant 0 : i32
        %dma_wait3A_194 = tpu.memref_slice %arg6[%dma_wait3A_181, %dma_wait3A_192, %dma_wait3A_193] : memref<3x256x128xf32, #tpu.memory_space<vmem>> -> memref<1x256x128xf32, #tpu.memory_space<vmem>>
        %dma_wait3A_195 = tpu.memref_squeeze %dma_wait3A_194 : memref<1x256x128xf32, #tpu.memory_space<vmem>> -> memref<256x128xf32, #tpu.memory_space<vmem>>
        tpu.wait_dma2 semaphore(%arg12 : memref<!tpu.dma_semaphore, #tpu.memory_space<semaphore_mem>>) src(%dma_wait3A_195 : memref<256x128xf32, #tpu.memory_space<vmem>>) dst(%dma_wait3A_191 : memref<256x128xf32, #tpu.memory_space<hbm>>)
      } else {
      }
      %lt3A_123 = arith.constant 100 : i32
      %lt3A_124 = arith.cmpi slt, %sub3A_119, %lt3A_123 : i32
      %convert_element_type3A_125 = arith.extui %lt3A_124 : i1 to i32
      %cond3A_126 = arith.constant 0 : i32
      %cond3A_127 = arith.cmpi ne, %convert_element_type3A_125, %cond3A_126 : i32
      scf.if %cond3A_127 {
        %mul3A_181 = arith.constant 2 : i32
        %mul3A_182 = arith.muli %sub3A_119, %mul3A_181 : i32
        %add3A_183 = arith.constant 0 : i32
        %add3A_184 = arith.addi %mul3A_182, %add3A_183 : i32
        %dma_start3A_185 = arith.constant 2 : i32
        %dma_start3A_186 = arith.constant 0 : i32
        %dma_start3A_187 = arith.constant 0 : i32
        %dma_start3A_188 = tpu.memref_slice %arg6[%dma_start3A_185, %dma_start3A_186, %dma_start3A_187] : memref<3x256x128xf32, #tpu.memory_space<vmem>> -> memref<1x256x128xf32, #tpu.memory_space<vmem>>
        %dma_start3A_189 = tpu.memref_squeeze %dma_start3A_188 : memref<1x256x128xf32, #tpu.memory_space<vmem>> -> memref<256x128xf32, #tpu.memory_space<vmem>>
        %dma_start3A_190 = arith.constant 0 : i32
        %dma_start3A_191 = arith.constant 0 : i32
        %dma_start3A_192 = tpu.memref_slice %dma_start3A_189[%dma_start3A_190, %dma_start3A_191] : memref<256x128xf32, #tpu.memory_space<vmem>> -> memref<128x128xf32, #tpu.memory_space<vmem>>
        %dma_start3A_193 = arith.constant 0 : i32
        %dma_start3A_194 = tpu.memref_slice %arg5[%add3A_184, %dma_start3A_193] : memref<200x128xi32, #tpu.memory_space<vmem>> -> memref<1x128xi32, #tpu.memory_space<vmem>>
        %dma_start3A_195 = tpu.memref_squeeze %dma_start3A_194 : memref<1x128xi32, #tpu.memory_space<vmem>> -> memref<128xi32, #tpu.memory_space<vmem>>
        %dma_start3A_196 = arith.constant 0 : i32
        %dma_start3A_197 = arith.constant 0 : i32
        %dma_start3A_198 = tpu.memref_slice %arg3[%dma_start3A_196, %dma_start3A_197] : memref<100000x128xf32, #tpu.memory_space<hbm>> -> memref<100000x128xf32, #tpu.memory_space<hbm>>
        tpu.enqueue_indirect_dma source(%dma_start3A_198 : memref<100000x128xf32, #tpu.memory_space<hbm>>) target(%dma_start3A_192 : memref<128x128xf32, #tpu.memory_space<vmem>>) offsets(%dma_start3A_195 : memref<128xi32, #tpu.memory_space<vmem>>) semaphore(%arg9 : memref<!tpu.dma_semaphore, #tpu.memory_space<semaphore_mem>>)
        %mul3A_199 = arith.constant 2 : i32
        %mul3A_200 = arith.muli %sub3A_119, %mul3A_199 : i32
        %add3A_201 = arith.constant 1 : i32
        %add3A_202 = arith.addi %mul3A_200, %add3A_201 : i32
        %dma_start3A_203 = arith.constant 2 : i32
        %dma_start3A_204 = arith.constant 0 : i32
        %dma_start3A_205 = arith.constant 0 : i32
        %dma_start3A_206 = tpu.memref_slice %arg6[%dma_start3A_203, %dma_start3A_204, %dma_start3A_205] : memref<3x256x128xf32, #tpu.memory_space<vmem>> -> memref<1x256x128xf32, #tpu.memory_space<vmem>>
        %dma_start3A_207 = tpu.memref_squeeze %dma_start3A_206 : memref<1x256x128xf32, #tpu.memory_space<vmem>> -> memref<256x128xf32, #tpu.memory_space<vmem>>
        %dma_start3A_208 = arith.constant 128 : i32
        %dma_start3A_209 = arith.constant 0 : i32
        %dma_start3A_210 = tpu.memref_slice %dma_start3A_207[%dma_start3A_208, %dma_start3A_209] : memref<256x128xf32, #tpu.memory_space<vmem>> -> memref<128x128xf32, #tpu.memory_space<vmem>>
        %dma_start3A_211 = arith.constant 0 : i32
        %dma_start3A_212 = tpu.memref_slice %arg5[%add3A_202, %dma_start3A_211] : memref<200x128xi32, #tpu.memory_space<vmem>> -> memref<1x128xi32, #tpu.memory_space<vmem>>
        %dma_start3A_213 = tpu.memref_squeeze %dma_start3A_212 : memref<1x128xi32, #tpu.memory_space<vmem>> -> memref<128xi32, #tpu.memory_space<vmem>>
        %dma_start3A_214 = arith.constant 0 : i32
        %dma_start3A_215 = arith.constant 0 : i32
        %dma_start3A_216 = tpu.memref_slice %arg3[%dma_start3A_214, %dma_start3A_215] : memref<100000x128xf32, #tpu.memory_space<hbm>> -> memref<100000x128xf32, #tpu.memory_space<hbm>>
        tpu.enqueue_indirect_dma source(%dma_start3A_216 : memref<100000x128xf32, #tpu.memory_space<hbm>>) target(%dma_start3A_210 : memref<128x128xf32, #tpu.memory_space<vmem>>) offsets(%dma_start3A_213 : memref<128xi32, #tpu.memory_space<vmem>>) semaphore(%arg9 : memref<!tpu.dma_semaphore, #tpu.memory_space<semaphore_mem>>)
      } else {
      }
      %lt3A_128 = arith.constant 100 : i32
      %lt3A_129 = arith.cmpi slt, %add3A_116, %lt3A_128 : i32
      %convert_element_type3A_130 = arith.extui %lt3A_129 : i1 to i32
      %cond3A_131 = arith.constant 0 : i32
      %cond3A_132 = arith.cmpi ne, %convert_element_type3A_130, %cond3A_131 : i32
      scf.if %cond3A_132 {
        %dma_wait3A_181 = arith.constant 0 : i32
        %dma_wait3A_182 = arith.constant 0 : i32
        %dma_wait3A_183 = arith.constant 0 : i32
        %dma_wait3A_184 = arith.constant 0 : i32
        %dma_wait3A_185 = tpu.memref_slice %arg6[%dma_wait3A_182, %dma_wait3A_183, %dma_wait3A_184] : memref<3x256x128xf32, #tpu.memory_space<vmem>> -> memref<1x256x128xf32, #tpu.memory_space<vmem>>
        %dma_wait3A_186 = tpu.memref_squeeze %dma_wait3A_185 : memref<1x256x128xf32, #tpu.memory_space<vmem>> -> memref<256x128xf32, #tpu.memory_space<vmem>>
        %dma_wait3A_187 = arith.constant 0 : i32
        %dma_wait3A_188 = arith.constant 0 : i32
        %dma_wait3A_189 = tpu.memref_slice %dma_wait3A_186[%dma_wait3A_187, %dma_wait3A_188] : memref<256x128xf32, #tpu.memory_space<vmem>> -> memref<128x128xf32, #tpu.memory_space<vmem>>
        %dma_wait3A_190 = arith.constant 0 : i32
        %dma_wait3A_191 = tpu.memref_slice %arg5[%dma_wait3A_181, %dma_wait3A_190] : memref<200x128xi32, #tpu.memory_space<vmem>> -> memref<1x128xi32, #tpu.memory_space<vmem>>
        %dma_wait3A_192 = tpu.memref_squeeze %dma_wait3A_191 : memref<1x128xi32, #tpu.memory_space<vmem>> -> memref<128xi32, #tpu.memory_space<vmem>>
        %dma_wait3A_193 = arith.constant 0 : i32
        %dma_wait3A_194 = arith.constant 0 : i32
        %dma_wait3A_195 = tpu.memref_slice %arg3[%dma_wait3A_193, %dma_wait3A_194] : memref<100000x128xf32, #tpu.memory_space<hbm>> -> memref<100000x128xf32, #tpu.memory_space<hbm>>
        tpu.wait_indirect_dma semaphore(%arg7 : memref<!tpu.dma_semaphore, #tpu.memory_space<semaphore_mem>>) src(%dma_wait3A_195 : memref<100000x128xf32, #tpu.memory_space<hbm>>) dst(%dma_wait3A_189 : memref<128x128xf32, #tpu.memory_space<vmem>>)
        %dma_wait3A_196 = arith.constant 0 : i32
        %dma_wait3A_197 = arith.constant 0 : i32
        %dma_wait3A_198 = arith.constant 0 : i32
        %dma_wait3A_199 = arith.constant 0 : i32
        %dma_wait3A_200 = tpu.memref_slice %arg6[%dma_wait3A_197, %dma_wait3A_198, %dma_wait3A_199] : memref<3x256x128xf32, #tpu.memory_space<vmem>> -> memref<1x256x128xf32, #tpu.memory_space<vmem>>
        %dma_wait3A_201 = tpu.memref_squeeze %dma_wait3A_200 : memref<1x256x128xf32, #tpu.memory_space<vmem>> -> memref<256x128xf32, #tpu.memory_space<vmem>>
        %dma_wait3A_202 = arith.constant 128 : i32
        %dma_wait3A_203 = arith.constant 0 : i32
        %dma_wait3A_204 = tpu.memref_slice %dma_wait3A_201[%dma_wait3A_202, %dma_wait3A_203] : memref<256x128xf32, #tpu.memory_space<vmem>> -> memref<128x128xf32, #tpu.memory_space<vmem>>
        %dma_wait3A_205 = arith.constant 0 : i32
        %dma_wait3A_206 = tpu.memref_slice %arg5[%dma_wait3A_196, %dma_wait3A_205] : memref<200x128xi32, #tpu.memory_space<vmem>> -> memref<1x128xi32, #tpu.memory_space<vmem>>
        %dma_wait3A_207 = tpu.memref_squeeze %dma_wait3A_206 : memref<1x128xi32, #tpu.memory_space<vmem>> -> memref<128xi32, #tpu.memory_space<vmem>>
        %dma_wait3A_208 = arith.constant 0 : i32
        %dma_wait3A_209 = arith.constant 0 : i32
        %dma_wait3A_210 = tpu.memref_slice %arg3[%dma_wait3A_208, %dma_wait3A_209] : memref<100000x128xf32, #tpu.memory_space<hbm>> -> memref<100000x128xf32, #tpu.memory_space<hbm>>
        tpu.wait_indirect_dma semaphore(%arg7 : memref<!tpu.dma_semaphore, #tpu.memory_space<semaphore_mem>>) src(%dma_wait3A_210 : memref<100000x128xf32, #tpu.memory_space<hbm>>) dst(%dma_wait3A_204 : memref<128x128xf32, #tpu.memory_space<vmem>>)
        %mul3A_211 = arith.constant 2 : i32
        %mul3A_212 = arith.muli %add3A_116, %mul3A_211 : i32
        %add3A_213 = arith.addi %mul3A_2, %mul3A_212 : i32
        %mul3A_214 = arith.constant 128 : i32
        %mul3A_215 = arith.muli %add3A_213, %mul3A_214 : i32
        %dma_start3A_216 = arith.constant 0 : i32
        %dma_start3A_217 = arith.constant 0 : i32
        %dma_start3A_218 = arith.constant 0 : i32
        %dma_start3A_219 = tpu.memref_slice %arg6[%dma_start3A_216, %dma_start3A_217, %dma_start3A_218] : memref<3x256x128xf32, #tpu.memory_space<vmem>> -> memref<1x256x128xf32, #tpu.memory_space<vmem>>
        %dma_start3A_220 = tpu.memref_squeeze %dma_start3A_219 : memref<1x256x128xf32, #tpu.memory_space<vmem>> -> memref<256x128xf32, #tpu.memory_space<vmem>>
        %dma_start3A_221 = arith.constant 0 : i32
        %dma_start3A_222 = tpu.memref_slice %arg4[%mul3A_215, %dma_start3A_221] : memref<819200x128xf32, #tpu.memory_space<hbm>> -> memref<256x128xf32, #tpu.memory_space<hbm>>
        %dma_start3A_223 = arith.constant 0 : i32
        %dma_start3A_224 = tpu.memref_slice %arg4[%mul3A_215, %dma_start3A_223] : memref<819200x128xf32, #tpu.memory_space<hbm>> -> memref<256x128xf32, #tpu.memory_space<hbm>>
        %dma_start3A_225 = arith.constant 0 : i32
        %dma_start3A_226 = arith.constant 0 : i32
        %dma_start3A_227 = tpu.memref_slice %arg6[%dma_start3A_216, %dma_start3A_225, %dma_start3A_226] : memref<3x256x128xf32, #tpu.memory_space<vmem>> -> memref<1x256x128xf32, #tpu.memory_space<vmem>>
        %dma_start3A_228 = tpu.memref_squeeze %dma_start3A_227 : memref<1x256x128xf32, #tpu.memory_space<vmem>> -> memref<256x128xf32, #tpu.memory_space<vmem>>
        tpu.enqueue_dma source(%dma_start3A_228 : memref<256x128xf32, #tpu.memory_space<vmem>>) target(%dma_start3A_224 : memref<256x128xf32, #tpu.memory_space<hbm>>) target_semaphore(%arg10 : memref<!tpu.dma_semaphore, #tpu.memory_space<semaphore_mem>>)
      } else {
      }
      %add3A_133 = arith.constant 1 : i32
      %add3A_134 = arith.addi %add3A_114, %add3A_133 : i32
      %add3A_135 = arith.constant 3 : i32
      %add3A_136 = arith.addi %add3A_134, %add3A_135 : i32
      %sub3A_137 = arith.constant 1 : i32
      %sub3A_138 = arith.subi %add3A_136, %sub3A_137 : i32
      %ge3A_139 = arith.constant 3 : i32
      %ge3A_140 = arith.cmpi sge, %sub3A_138, %ge3A_139 : i32
      %lt3A_141 = arith.constant 100 : i32
      %lt3A_142 = arith.cmpi slt, %sub3A_138, %lt3A_141 : i32
      %and3A_143 = arith.andi %ge3A_140, %lt3A_142 : i1
      %convert_element_type3A_144 = arith.extui %and3A_143 : i1 to i32
      %cond3A_145 = arith.constant 0 : i32
      %cond3A_146 = arith.cmpi ne, %convert_element_type3A_144, %cond3A_145 : i32
      scf.if %cond3A_146 {
        %dma_wait3A_181 = arith.constant 0 : i32
        %dma_wait3A_182 = arith.constant 0 : i32
        %dma_wait3A_183 = arith.constant 0 : i32
        %dma_wait3A_184 = tpu.memref_slice %arg6[%dma_wait3A_181, %dma_wait3A_182, %dma_wait3A_183] : memref<3x256x128xf32, #tpu.memory_space<vmem>> -> memref<1x256x128xf32, #tpu.memory_space<vmem>>
        %dma_wait3A_185 = tpu.memref_squeeze %dma_wait3A_184 : memref<1x256x128xf32, #tpu.memory_space<vmem>> -> memref<256x128xf32, #tpu.memory_space<vmem>>
        %dma_wait3A_186 = arith.constant 0 : i32
        %dma_wait3A_187 = arith.constant 0 : i32
        %dma_wait3A_188 = tpu.memref_slice %arg4[%dma_wait3A_186, %dma_wait3A_187] : memref<819200x128xf32, #tpu.memory_space<hbm>> -> memref<256x128xf32, #tpu.memory_space<hbm>>
        %dma_wait3A_189 = arith.constant 0 : i32
        %dma_wait3A_190 = arith.constant 0 : i32
        %dma_wait3A_191 = tpu.memref_slice %arg4[%dma_wait3A_189, %dma_wait3A_190] : memref<819200x128xf32, #tpu.memory_space<hbm>> -> memref<256x128xf32, #tpu.memory_space<hbm>>
        %dma_wait3A_192 = arith.constant 0 : i32
        %dma_wait3A_193 = arith.constant 0 : i32
        %dma_wait3A_194 = tpu.memref_slice %arg6[%dma_wait3A_181, %dma_wait3A_192, %dma_wait3A_193] : memref<3x256x128xf32, #tpu.memory_space<vmem>> -> memref<1x256x128xf32, #tpu.memory_space<vmem>>
        %dma_wait3A_195 = tpu.memref_squeeze %dma_wait3A_194 : memref<1x256x128xf32, #tpu.memory_space<vmem>> -> memref<256x128xf32, #tpu.memory_space<vmem>>
        tpu.wait_dma2 semaphore(%arg10 : memref<!tpu.dma_semaphore, #tpu.memory_space<semaphore_mem>>) src(%dma_wait3A_195 : memref<256x128xf32, #tpu.memory_space<vmem>>) dst(%dma_wait3A_191 : memref<256x128xf32, #tpu.memory_space<hbm>>)
      } else {
      }
      %lt3A_147 = arith.constant 100 : i32
      %lt3A_148 = arith.cmpi slt, %sub3A_138, %lt3A_147 : i32
      %convert_element_type3A_149 = arith.extui %lt3A_148 : i1 to i32
      %cond3A_150 = arith.constant 0 : i32
      %cond3A_151 = arith.cmpi ne, %convert_element_type3A_149, %cond3A_150 : i32
      scf.if %cond3A_151 {
        %mul3A_181 = arith.constant 2 : i32
        %mul3A_182 = arith.muli %sub3A_138, %mul3A_181 : i32
        %add3A_183 = arith.constant 0 : i32
        %add3A_184 = arith.addi %mul3A_182, %add3A_183 : i32
        %dma_start3A_185 = arith.constant 0 : i32
        %dma_start3A_186 = arith.constant 0 : i32
        %dma_start3A_187 = arith.constant 0 : i32
        %dma_start3A_188 = tpu.memref_slice %arg6[%dma_start3A_185, %dma_start3A_186, %dma_start3A_187] : memref<3x256x128xf32, #tpu.memory_space<vmem>> -> memref<1x256x128xf32, #tpu.memory_space<vmem>>
        %dma_start3A_189 = tpu.memref_squeeze %dma_start3A_188 : memref<1x256x128xf32, #tpu.memory_space<vmem>> -> memref<256x128xf32, #tpu.memory_space<vmem>>
        %dma_start3A_190 = arith.constant 0 : i32
        %dma_start3A_191 = arith.constant 0 : i32
        %dma_start3A_192 = tpu.memref_slice %dma_start3A_189[%dma_start3A_190, %dma_start3A_191] : memref<256x128xf32, #tpu.memory_space<vmem>> -> memref<128x128xf32, #tpu.memory_space<vmem>>
        %dma_start3A_193 = arith.constant 0 : i32
        %dma_start3A_194 = tpu.memref_slice %arg5[%add3A_184, %dma_start3A_193] : memref<200x128xi32, #tpu.memory_space<vmem>> -> memref<1x128xi32, #tpu.memory_space<vmem>>
        %dma_start3A_195 = tpu.memref_squeeze %dma_start3A_194 : memref<1x128xi32, #tpu.memory_space<vmem>> -> memref<128xi32, #tpu.memory_space<vmem>>
        %dma_start3A_196 = arith.constant 0 : i32
        %dma_start3A_197 = arith.constant 0 : i32
        %dma_start3A_198 = tpu.memref_slice %arg3[%dma_start3A_196, %dma_start3A_197] : memref<100000x128xf32, #tpu.memory_space<hbm>> -> memref<100000x128xf32, #tpu.memory_space<hbm>>
        tpu.enqueue_indirect_dma source(%dma_start3A_198 : memref<100000x128xf32, #tpu.memory_space<hbm>>) target(%dma_start3A_192 : memref<128x128xf32, #tpu.memory_space<vmem>>) offsets(%dma_start3A_195 : memref<128xi32, #tpu.memory_space<vmem>>) semaphore(%arg7 : memref<!tpu.dma_semaphore, #tpu.memory_space<semaphore_mem>>)
        %mul3A_199 = arith.constant 2 : i32
        %mul3A_200 = arith.muli %sub3A_138, %mul3A_199 : i32
        %add3A_201 = arith.constant 1 : i32
        %add3A_202 = arith.addi %mul3A_200, %add3A_201 : i32
        %dma_start3A_203 = arith.constant 0 : i32
        %dma_start3A_204 = arith.constant 0 : i32
        %dma_start3A_205 = arith.constant 0 : i32
        %dma_start3A_206 = tpu.memref_slice %arg6[%dma_start3A_203, %dma_start3A_204, %dma_start3A_205] : memref<3x256x128xf32, #tpu.memory_space<vmem>> -> memref<1x256x128xf32, #tpu.memory_space<vmem>>
        %dma_start3A_207 = tpu.memref_squeeze %dma_start3A_206 : memref<1x256x128xf32, #tpu.memory_space<vmem>> -> memref<256x128xf32, #tpu.memory_space<vmem>>
        %dma_start3A_208 = arith.constant 128 : i32
        %dma_start3A_209 = arith.constant 0 : i32
        %dma_start3A_210 = tpu.memref_slice %dma_start3A_207[%dma_start3A_208, %dma_start3A_209] : memref<256x128xf32, #tpu.memory_space<vmem>> -> memref<128x128xf32, #tpu.memory_space<vmem>>
        %dma_start3A_211 = arith.constant 0 : i32
        %dma_start3A_212 = tpu.memref_slice %arg5[%add3A_202, %dma_start3A_211] : memref<200x128xi32, #tpu.memory_space<vmem>> -> memref<1x128xi32, #tpu.memory_space<vmem>>
        %dma_start3A_213 = tpu.memref_squeeze %dma_start3A_212 : memref<1x128xi32, #tpu.memory_space<vmem>> -> memref<128xi32, #tpu.memory_space<vmem>>
        %dma_start3A_214 = arith.constant 0 : i32
        %dma_start3A_215 = arith.constant 0 : i32
        %dma_start3A_216 = tpu.memref_slice %arg3[%dma_start3A_214, %dma_start3A_215] : memref<100000x128xf32, #tpu.memory_space<hbm>> -> memref<100000x128xf32, #tpu.memory_space<hbm>>
        tpu.enqueue_indirect_dma source(%dma_start3A_216 : memref<100000x128xf32, #tpu.memory_space<hbm>>) target(%dma_start3A_210 : memref<128x128xf32, #tpu.memory_space<vmem>>) offsets(%dma_start3A_213 : memref<128xi32, #tpu.memory_space<vmem>>) semaphore(%arg7 : memref<!tpu.dma_semaphore, #tpu.memory_space<semaphore_mem>>)
      } else {
      }
      %lt3A_152 = arith.constant 100 : i32
      %lt3A_153 = arith.cmpi slt, %add3A_134, %lt3A_152 : i32
      %convert_element_type3A_154 = arith.extui %lt3A_153 : i1 to i32
      %cond3A_155 = arith.constant 0 : i32
      %cond3A_156 = arith.cmpi ne, %convert_element_type3A_154, %cond3A_155 : i32
      scf.if %cond3A_156 {
        %dma_wait3A_181 = arith.constant 0 : i32
        %dma_wait3A_182 = arith.constant 1 : i32
        %dma_wait3A_183 = arith.constant 0 : i32
        %dma_wait3A_184 = arith.constant 0 : i32
        %dma_wait3A_185 = tpu.memref_slice %arg6[%dma_wait3A_182, %dma_wait3A_183, %dma_wait3A_184] : memref<3x256x128xf32, #tpu.memory_space<vmem>> -> memref<1x256x128xf32, #tpu.memory_space<vmem>>
        %dma_wait3A_186 = tpu.memref_squeeze %dma_wait3A_185 : memref<1x256x128xf32, #tpu.memory_space<vmem>> -> memref<256x128xf32, #tpu.memory_space<vmem>>
        %dma_wait3A_187 = arith.constant 0 : i32
        %dma_wait3A_188 = arith.constant 0 : i32
        %dma_wait3A_189 = tpu.memref_slice %dma_wait3A_186[%dma_wait3A_187, %dma_wait3A_188] : memref<256x128xf32, #tpu.memory_space<vmem>> -> memref<128x128xf32, #tpu.memory_space<vmem>>
        %dma_wait3A_190 = arith.constant 0 : i32
        %dma_wait3A_191 = tpu.memref_slice %arg5[%dma_wait3A_181, %dma_wait3A_190] : memref<200x128xi32, #tpu.memory_space<vmem>> -> memref<1x128xi32, #tpu.memory_space<vmem>>
        %dma_wait3A_192 = tpu.memref_squeeze %dma_wait3A_191 : memref<1x128xi32, #tpu.memory_space<vmem>> -> memref<128xi32, #tpu.memory_space<vmem>>
        %dma_wait3A_193 = arith.constant 0 : i32
        %dma_wait3A_194 = arith.constant 0 : i32
        %dma_wait3A_195 = tpu.memref_slice %arg3[%dma_wait3A_193, %dma_wait3A_194] : memref<100000x128xf32, #tpu.memory_space<hbm>> -> memref<100000x128xf32, #tpu.memory_space<hbm>>
        tpu.wait_indirect_dma semaphore(%arg8 : memref<!tpu.dma_semaphore, #tpu.memory_space<semaphore_mem>>) src(%dma_wait3A_195 : memref<100000x128xf32, #tpu.memory_space<hbm>>) dst(%dma_wait3A_189 : memref<128x128xf32, #tpu.memory_space<vmem>>)
        %dma_wait3A_196 = arith.constant 0 : i32
        %dma_wait3A_197 = arith.constant 1 : i32
        %dma_wait3A_198 = arith.constant 0 : i32
        %dma_wait3A_199 = arith.constant 0 : i32
        %dma_wait3A_200 = tpu.memref_slice %arg6[%dma_wait3A_197, %dma_wait3A_198, %dma_wait3A_199] : memref<3x256x128xf32, #tpu.memory_space<vmem>> -> memref<1x256x128xf32, #tpu.memory_space<vmem>>
        %dma_wait3A_201 = tpu.memref_squeeze %dma_wait3A_200 : memref<1x256x128xf32, #tpu.memory_space<vmem>> -> memref<256x128xf32, #tpu.memory_space<vmem>>
        %dma_wait3A_202 = arith.constant 128 : i32
        %dma_wait3A_203 = arith.constant 0 : i32
        %dma_wait3A_204 = tpu.memref_slice %dma_wait3A_201[%dma_wait3A_202, %dma_wait3A_203] : memref<256x128xf32, #tpu.memory_space<vmem>> -> memref<128x128xf32, #tpu.memory_space<vmem>>
        %dma_wait3A_205 = arith.constant 0 : i32
        %dma_wait3A_206 = tpu.memref_slice %arg5[%dma_wait3A_196, %dma_wait3A_205] : memref<200x128xi32, #tpu.memory_space<vmem>> -> memref<1x128xi32, #tpu.memory_space<vmem>>
        %dma_wait3A_207 = tpu.memref_squeeze %dma_wait3A_206 : memref<1x128xi32, #tpu.memory_space<vmem>> -> memref<128xi32, #tpu.memory_space<vmem>>
        %dma_wait3A_208 = arith.constant 0 : i32
        %dma_wait3A_209 = arith.constant 0 : i32
        %dma_wait3A_210 = tpu.memref_slice %arg3[%dma_wait3A_208, %dma_wait3A_209] : memref<100000x128xf32, #tpu.memory_space<hbm>> -> memref<100000x128xf32, #tpu.memory_space<hbm>>
        tpu.wait_indirect_dma semaphore(%arg8 : memref<!tpu.dma_semaphore, #tpu.memory_space<semaphore_mem>>) src(%dma_wait3A_210 : memref<100000x128xf32, #tpu.memory_space<hbm>>) dst(%dma_wait3A_204 : memref<128x128xf32, #tpu.memory_space<vmem>>)
        %mul3A_211 = arith.constant 2 : i32
        %mul3A_212 = arith.muli %add3A_134, %mul3A_211 : i32
        %add3A_213 = arith.addi %mul3A_2, %mul3A_212 : i32
        %mul3A_214 = arith.constant 128 : i32
        %mul3A_215 = arith.muli %add3A_213, %mul3A_214 : i32
        %dma_start3A_216 = arith.constant 1 : i32
        %dma_start3A_217 = arith.constant 0 : i32
        %dma_start3A_218 = arith.constant 0 : i32
        %dma_start3A_219 = tpu.memref_slice %arg6[%dma_start3A_216, %dma_start3A_217, %dma_start3A_218] : memref<3x256x128xf32, #tpu.memory_space<vmem>> -> memref<1x256x128xf32, #tpu.memory_space<vmem>>
        %dma_start3A_220 = tpu.memref_squeeze %dma_start3A_219 : memref<1x256x128xf32, #tpu.memory_space<vmem>> -> memref<256x128xf32, #tpu.memory_space<vmem>>
        %dma_start3A_221 = arith.constant 0 : i32
        %dma_start3A_222 = tpu.memref_slice %arg4[%mul3A_215, %dma_start3A_221] : memref<819200x128xf32, #tpu.memory_space<hbm>> -> memref<256x128xf32, #tpu.memory_space<hbm>>
        %dma_start3A_223 = arith.constant 0 : i32
        %dma_start3A_224 = tpu.memref_slice %arg4[%mul3A_215, %dma_start3A_223] : memref<819200x128xf32, #tpu.memory_space<hbm>> -> memref<256x128xf32, #tpu.memory_space<hbm>>
        %dma_start3A_225 = arith.constant 0 : i32
        %dma_start3A_226 = arith.constant 0 : i32
        %dma_start3A_227 = tpu.memref_slice %arg6[%dma_start3A_216, %dma_start3A_225, %dma_start3A_226] : memref<3x256x128xf32, #tpu.memory_space<vmem>> -> memref<1x256x128xf32, #tpu.memory_space<vmem>>
        %dma_start3A_228 = tpu.memref_squeeze %dma_start3A_227 : memref<1x256x128xf32, #tpu.memory_space<vmem>> -> memref<256x128xf32, #tpu.memory_space<vmem>>
        tpu.enqueue_dma source(%dma_start3A_228 : memref<256x128xf32, #tpu.memory_space<vmem>>) target(%dma_start3A_224 : memref<256x128xf32, #tpu.memory_space<hbm>>) target_semaphore(%arg11 : memref<!tpu.dma_semaphore, #tpu.memory_space<semaphore_mem>>)
      } else {
      }
      %add3A_157 = arith.constant 2 : i32
      %add3A_158 = arith.addi %add3A_114, %add3A_157 : i32
      %add3A_159 = arith.constant 3 : i32
      %add3A_160 = arith.addi %add3A_158, %add3A_159 : i32
      %sub3A_161 = arith.constant 1 : i32
      %sub3A_162 = arith.subi %add3A_160, %sub3A_161 : i32
      %ge3A_163 = arith.constant 3 : i32
      %ge3A_164 = arith.cmpi sge, %sub3A_162, %ge3A_163 : i32
      %lt3A_165 = arith.constant 100 : i32
      %lt3A_166 = arith.cmpi slt, %sub3A_162, %lt3A_165 : i32
      %and3A_167 = arith.andi %ge3A_164, %lt3A_166 : i1
      %convert_element_type3A_168 = arith.extui %and3A_167 : i1 to i32
      %cond3A_169 = arith.constant 0 : i32
      %cond3A_170 = arith.cmpi ne, %convert_element_type3A_168, %cond3A_169 : i32
      scf.if %cond3A_170 {
        %dma_wait3A_181 = arith.constant 1 : i32
        %dma_wait3A_182 = arith.constant 0 : i32
        %dma_wait3A_183 = arith.constant 0 : i32
        %dma_wait3A_184 = tpu.memref_slice %arg6[%dma_wait3A_181, %dma_wait3A_182, %dma_wait3A_183] : memref<3x256x128xf32, #tpu.memory_space<vmem>> -> memref<1x256x128xf32, #tpu.memory_space<vmem>>
        %dma_wait3A_185 = tpu.memref_squeeze %dma_wait3A_184 : memref<1x256x128xf32, #tpu.memory_space<vmem>> -> memref<256x128xf32, #tpu.memory_space<vmem>>
        %dma_wait3A_186 = arith.constant 0 : i32
        %dma_wait3A_187 = arith.constant 0 : i32
        %dma_wait3A_188 = tpu.memref_slice %arg4[%dma_wait3A_186, %dma_wait3A_187] : memref<819200x128xf32, #tpu.memory_space<hbm>> -> memref<256x128xf32, #tpu.memory_space<hbm>>
        %dma_wait3A_189 = arith.constant 0 : i32
        %dma_wait3A_190 = arith.constant 0 : i32
        %dma_wait3A_191 = tpu.memref_slice %arg4[%dma_wait3A_189, %dma_wait3A_190] : memref<819200x128xf32, #tpu.memory_space<hbm>> -> memref<256x128xf32, #tpu.memory_space<hbm>>
        %dma_wait3A_192 = arith.constant 0 : i32
        %dma_wait3A_193 = arith.constant 0 : i32
        %dma_wait3A_194 = tpu.memref_slice %arg6[%dma_wait3A_181, %dma_wait3A_192, %dma_wait3A_193] : memref<3x256x128xf32, #tpu.memory_space<vmem>> -> memref<1x256x128xf32, #tpu.memory_space<vmem>>
        %dma_wait3A_195 = tpu.memref_squeeze %dma_wait3A_194 : memref<1x256x128xf32, #tpu.memory_space<vmem>> -> memref<256x128xf32, #tpu.memory_space<vmem>>
        tpu.wait_dma2 semaphore(%arg11 : memref<!tpu.dma_semaphore, #tpu.memory_space<semaphore_mem>>) src(%dma_wait3A_195 : memref<256x128xf32, #tpu.memory_space<vmem>>) dst(%dma_wait3A_191 : memref<256x128xf32, #tpu.memory_space<hbm>>)
      } else {
      }
      %lt3A_171 = arith.constant 100 : i32
      %lt3A_172 = arith.cmpi slt, %sub3A_162, %lt3A_171 : i32
      %convert_element_type3A_173 = arith.extui %lt3A_172 : i1 to i32
      %cond3A_174 = arith.constant 0 : i32
      %cond3A_175 = arith.cmpi ne, %convert_element_type3A_173, %cond3A_174 : i32
      scf.if %cond3A_175 {
        %mul3A_181 = arith.constant 2 : i32
        %mul3A_182 = arith.muli %sub3A_162, %mul3A_181 : i32
        %add3A_183 = arith.constant 0 : i32
        %add3A_184 = arith.addi %mul3A_182, %add3A_183 : i32
        %dma_start3A_185 = arith.constant 1 : i32
        %dma_start3A_186 = arith.constant 0 : i32
        %dma_start3A_187 = arith.constant 0 : i32
        %dma_start3A_188 = tpu.memref_slice %arg6[%dma_start3A_185, %dma_start3A_186, %dma_start3A_187] : memref<3x256x128xf32, #tpu.memory_space<vmem>> -> memref<1x256x128xf32, #tpu.memory_space<vmem>>
        %dma_start3A_189 = tpu.memref_squeeze %dma_start3A_188 : memref<1x256x128xf32, #tpu.memory_space<vmem>> -> memref<256x128xf32, #tpu.memory_space<vmem>>
        %dma_start3A_190 = arith.constant 0 : i32
        %dma_start3A_191 = arith.constant 0 : i32
        %dma_start3A_192 = tpu.memref_slice %dma_start3A_189[%dma_start3A_190, %dma_start3A_191] : memref<256x128xf32, #tpu.memory_space<vmem>> -> memref<128x128xf32, #tpu.memory_space<vmem>>
        %dma_start3A_193 = arith.constant 0 : i32
        %dma_start3A_194 = tpu.memref_slice %arg5[%add3A_184, %dma_start3A_193] : memref<200x128xi32, #tpu.memory_space<vmem>> -> memref<1x128xi32, #tpu.memory_space<vmem>>
        %dma_start3A_195 = tpu.memref_squeeze %dma_start3A_194 : memref<1x128xi32, #tpu.memory_space<vmem>> -> memref<128xi32, #tpu.memory_space<vmem>>
        %dma_start3A_196 = arith.constant 0 : i32
        %dma_start3A_197 = arith.constant 0 : i32
        %dma_start3A_198 = tpu.memref_slice %arg3[%dma_start3A_196, %dma_start3A_197] : memref<100000x128xf32, #tpu.memory_space<hbm>> -> memref<100000x128xf32, #tpu.memory_space<hbm>>
        tpu.enqueue_indirect_dma source(%dma_start3A_198 : memref<100000x128xf32, #tpu.memory_space<hbm>>) target(%dma_start3A_192 : memref<128x128xf32, #tpu.memory_space<vmem>>) offsets(%dma_start3A_195 : memref<128xi32, #tpu.memory_space<vmem>>) semaphore(%arg8 : memref<!tpu.dma_semaphore, #tpu.memory_space<semaphore_mem>>)
        %mul3A_199 = arith.constant 2 : i32
        %mul3A_200 = arith.muli %sub3A_162, %mul3A_199 : i32
        %add3A_201 = arith.constant 1 : i32
        %add3A_202 = arith.addi %mul3A_200, %add3A_201 : i32
        %dma_start3A_203 = arith.constant 1 : i32
        %dma_start3A_204 = arith.constant 0 : i32
        %dma_start3A_205 = arith.constant 0 : i32
        %dma_start3A_206 = tpu.memref_slice %arg6[%dma_start3A_203, %dma_start3A_204, %dma_start3A_205] : memref<3x256x128xf32, #tpu.memory_space<vmem>> -> memref<1x256x128xf32, #tpu.memory_space<vmem>>
        %dma_start3A_207 = tpu.memref_squeeze %dma_start3A_206 : memref<1x256x128xf32, #tpu.memory_space<vmem>> -> memref<256x128xf32, #tpu.memory_space<vmem>>
        %dma_start3A_208 = arith.constant 128 : i32
        %dma_start3A_209 = arith.constant 0 : i32
        %dma_start3A_210 = tpu.memref_slice %dma_start3A_207[%dma_start3A_208, %dma_start3A_209] : memref<256x128xf32, #tpu.memory_space<vmem>> -> memref<128x128xf32, #tpu.memory_space<vmem>>
        %dma_start3A_211 = arith.constant 0 : i32
        %dma_start3A_212 = tpu.memref_slice %arg5[%add3A_202, %dma_start3A_211] : memref<200x128xi32, #tpu.memory_space<vmem>> -> memref<1x128xi32, #tpu.memory_space<vmem>>
        %dma_start3A_213 = tpu.memref_squeeze %dma_start3A_212 : memref<1x128xi32, #tpu.memory_space<vmem>> -> memref<128xi32, #tpu.memory_space<vmem>>
        %dma_start3A_214 = arith.constant 0 : i32
        %dma_start3A_215 = arith.constant 0 : i32
        %dma_start3A_216 = tpu.memref_slice %arg3[%dma_start3A_214, %dma_start3A_215] : memref<100000x128xf32, #tpu.memory_space<hbm>> -> memref<100000x128xf32, #tpu.memory_space<hbm>>
        tpu.enqueue_indirect_dma source(%dma_start3A_216 : memref<100000x128xf32, #tpu.memory_space<hbm>>) target(%dma_start3A_210 : memref<128x128xf32, #tpu.memory_space<vmem>>) offsets(%dma_start3A_213 : memref<128xi32, #tpu.memory_space<vmem>>) semaphore(%arg8 : memref<!tpu.dma_semaphore, #tpu.memory_space<semaphore_mem>>)
      } else {
      }
      %lt3A_176 = arith.constant 100 : i32
      %lt3A_177 = arith.cmpi slt, %add3A_158, %lt3A_176 : i32
      %convert_element_type3A_178 = arith.extui %lt3A_177 : i1 to i32
      %cond3A_179 = arith.constant 0 : i32
      %cond3A_180 = arith.cmpi ne, %convert_element_type3A_178, %cond3A_179 : i32
      scf.if %cond3A_180 {
        %dma_wait3A_181 = arith.constant 0 : i32
        %dma_wait3A_182 = arith.constant 2 : i32
        %dma_wait3A_183 = arith.constant 0 : i32
        %dma_wait3A_184 = arith.constant 0 : i32
        %dma_wait3A_185 = tpu.memref_slice %arg6[%dma_wait3A_182, %dma_wait3A_183, %dma_wait3A_184] : memref<3x256x128xf32, #tpu.memory_space<vmem>> -> memref<1x256x128xf32, #tpu.memory_space<vmem>>
        %dma_wait3A_186 = tpu.memref_squeeze %dma_wait3A_185 : memref<1x256x128xf32, #tpu.memory_space<vmem>> -> memref<256x128xf32, #tpu.memory_space<vmem>>
        %dma_wait3A_187 = arith.constant 0 : i32
        %dma_wait3A_188 = arith.constant 0 : i32
        %dma_wait3A_189 = tpu.memref_slice %dma_wait3A_186[%dma_wait3A_187, %dma_wait3A_188] : memref<256x128xf32, #tpu.memory_space<vmem>> -> memref<128x128xf32, #tpu.memory_space<vmem>>
        %dma_wait3A_190 = arith.constant 0 : i32
        %dma_wait3A_191 = tpu.memref_slice %arg5[%dma_wait3A_181, %dma_wait3A_190] : memref<200x128xi32, #tpu.memory_space<vmem>> -> memref<1x128xi32, #tpu.memory_space<vmem>>
        %dma_wait3A_192 = tpu.memref_squeeze %dma_wait3A_191 : memref<1x128xi32, #tpu.memory_space<vmem>> -> memref<128xi32, #tpu.memory_space<vmem>>
        %dma_wait3A_193 = arith.constant 0 : i32
        %dma_wait3A_194 = arith.constant 0 : i32
        %dma_wait3A_195 = tpu.memref_slice %arg3[%dma_wait3A_193, %dma_wait3A_194] : memref<100000x128xf32, #tpu.memory_space<hbm>> -> memref<100000x128xf32, #tpu.memory_space<hbm>>
        tpu.wait_indirect_dma semaphore(%arg9 : memref<!tpu.dma_semaphore, #tpu.memory_space<semaphore_mem>>) src(%dma_wait3A_195 : memref<100000x128xf32, #tpu.memory_space<hbm>>) dst(%dma_wait3A_189 : memref<128x128xf32, #tpu.memory_space<vmem>>)
        %dma_wait3A_196 = arith.constant 0 : i32
        %dma_wait3A_197 = arith.constant 2 : i32
        %dma_wait3A_198 = arith.constant 0 : i32
        %dma_wait3A_199 = arith.constant 0 : i32
        %dma_wait3A_200 = tpu.memref_slice %arg6[%dma_wait3A_197, %dma_wait3A_198, %dma_wait3A_199] : memref<3x256x128xf32, #tpu.memory_space<vmem>> -> memref<1x256x128xf32, #tpu.memory_space<vmem>>
        %dma_wait3A_201 = tpu.memref_squeeze %dma_wait3A_200 : memref<1x256x128xf32, #tpu.memory_space<vmem>> -> memref<256x128xf32, #tpu.memory_space<vmem>>
        %dma_wait3A_202 = arith.constant 128 : i32
        %dma_wait3A_203 = arith.constant 0 : i32
        %dma_wait3A_204 = tpu.memref_slice %dma_wait3A_201[%dma_wait3A_202, %dma_wait3A_203] : memref<256x128xf32, #tpu.memory_space<vmem>> -> memref<128x128xf32, #tpu.memory_space<vmem>>
        %dma_wait3A_205 = arith.constant 0 : i32
        %dma_wait3A_206 = tpu.memref_slice %arg5[%dma_wait3A_196, %dma_wait3A_205] : memref<200x128xi32, #tpu.memory_space<vmem>> -> memref<1x128xi32, #tpu.memory_space<vmem>>
        %dma_wait3A_207 = tpu.memref_squeeze %dma_wait3A_206 : memref<1x128xi32, #tpu.memory_space<vmem>> -> memref<128xi32, #tpu.memory_space<vmem>>
        %dma_wait3A_208 = arith.constant 0 : i32
        %dma_wait3A_209 = arith.constant 0 : i32
        %dma_wait3A_210 = tpu.memref_slice %arg3[%dma_wait3A_208, %dma_wait3A_209] : memref<100000x128xf32, #tpu.memory_space<hbm>> -> memref<100000x128xf32, #tpu.memory_space<hbm>>
        tpu.wait_indirect_dma semaphore(%arg9 : memref<!tpu.dma_semaphore, #tpu.memory_space<semaphore_mem>>) src(%dma_wait3A_210 : memref<100000x128xf32, #tpu.memory_space<hbm>>) dst(%dma_wait3A_204 : memref<128x128xf32, #tpu.memory_space<vmem>>)
        %mul3A_211 = arith.constant 2 : i32
        %mul3A_212 = arith.muli %add3A_158, %mul3A_211 : i32
        %add3A_213 = arith.addi %mul3A_2, %mul3A_212 : i32
        %mul3A_214 = arith.constant 128 : i32
        %mul3A_215 = arith.muli %add3A_213, %mul3A_214 : i32
        %dma_start3A_216 = arith.constant 2 : i32
        %dma_start3A_217 = arith.constant 0 : i32
        %dma_start3A_218 = arith.constant 0 : i32
        %dma_start3A_219 = tpu.memref_slice %arg6[%dma_start3A_216, %dma_start3A_217, %dma_start3A_218] : memref<3x256x128xf32, #tpu.memory_space<vmem>> -> memref<1x256x128xf32, #tpu.memory_space<vmem>>
        %dma_start3A_220 = tpu.memref_squeeze %dma_start3A_219 : memref<1x256x128xf32, #tpu.memory_space<vmem>> -> memref<256x128xf32, #tpu.memory_space<vmem>>
        %dma_start3A_221 = arith.constant 0 : i32
        %dma_start3A_222 = tpu.memref_slice %arg4[%mul3A_215, %dma_start3A_221] : memref<819200x128xf32, #tpu.memory_space<hbm>> -> memref<256x128xf32, #tpu.memory_space<hbm>>
        %dma_start3A_223 = arith.constant 0 : i32
        %dma_start3A_224 = tpu.memref_slice %arg4[%mul3A_215, %dma_start3A_223] : memref<819200x128xf32, #tpu.memory_space<hbm>> -> memref<256x128xf32, #tpu.memory_space<hbm>>
        %dma_start3A_225 = arith.constant 0 : i32
        %dma_start3A_226 = arith.constant 0 : i32
        %dma_start3A_227 = tpu.memref_slice %arg6[%dma_start3A_216, %dma_start3A_225, %dma_start3A_226] : memref<3x256x128xf32, #tpu.memory_space<vmem>> -> memref<1x256x128xf32, #tpu.memory_space<vmem>>
        %dma_start3A_228 = tpu.memref_squeeze %dma_start3A_227 : memref<1x256x128xf32, #tpu.memory_space<vmem>> -> memref<256x128xf32, #tpu.memory_space<vmem>>
        tpu.enqueue_dma source(%dma_start3A_228 : memref<256x128xf32, #tpu.memory_space<vmem>>) target(%dma_start3A_224 : memref<256x128xf32, #tpu.memory_space<hbm>>) target_semaphore(%arg12 : memref<!tpu.dma_semaphore, #tpu.memory_space<semaphore_mem>>)
      } else {
      }
    }
    %scan3A_65 = arith.constant 34 : i32
    %dma_wait3A = arith.constant 0 : i32
    %dma_wait3A_66 = arith.constant 0 : i32
    %dma_wait3A_67 = arith.constant 0 : i32
    %dma_wait3A_68 = tpu.memref_slice %arg6[%dma_wait3A, %dma_wait3A_66, %dma_wait3A_67] : memref<3x256x128xf32, #tpu.memory_space<vmem>> -> memref<1x256x128xf32, #tpu.memory_space<vmem>>
    %dma_wait3A_69 = tpu.memref_squeeze %dma_wait3A_68 : memref<1x256x128xf32, #tpu.memory_space<vmem>> -> memref<256x128xf32, #tpu.memory_space<vmem>>
    %dma_wait3A_70 = arith.constant 0 : i32
    %dma_wait3A_71 = arith.constant 0 : i32
    %dma_wait3A_72 = tpu.memref_slice %arg4[%dma_wait3A_70, %dma_wait3A_71] : memref<819200x128xf32, #tpu.memory_space<hbm>> -> memref<256x128xf32, #tpu.memory_space<hbm>>
    %dma_wait3A_73 = arith.constant 0 : i32
    %dma_wait3A_74 = arith.constant 0 : i32
    %dma_wait3A_75 = tpu.memref_slice %arg4[%dma_wait3A_73, %dma_wait3A_74] : memref<819200x128xf32, #tpu.memory_space<hbm>> -> memref<256x128xf32, #tpu.memory_space<hbm>>
    %dma_wait3A_76 = arith.constant 0 : i32
    %dma_wait3A_77 = arith.constant 0 : i32
    %dma_wait3A_78 = tpu.memref_slice %arg6[%dma_wait3A, %dma_wait3A_76, %dma_wait3A_77] : memref<3x256x128xf32, #tpu.memory_space<vmem>> -> memref<1x256x128xf32, #tpu.memory_space<vmem>>
    %dma_wait3A_79 = tpu.memref_squeeze %dma_wait3A_78 : memref<1x256x128xf32, #tpu.memory_space<vmem>> -> memref<256x128xf32, #tpu.memory_space<vmem>>
    tpu.wait_dma2 semaphore(%arg10 : memref<!tpu.dma_semaphore, #tpu.memory_space<semaphore_mem>>) src(%dma_wait3A_79 : memref<256x128xf32, #tpu.memory_space<vmem>>) dst(%dma_wait3A_75 : memref<256x128xf32, #tpu.memory_space<hbm>>)
    %dma_wait3A_80 = arith.constant 1 : i32
    %dma_wait3A_81 = arith.constant 0 : i32
    %dma_wait3A_82 = arith.constant 0 : i32
    %dma_wait3A_83 = tpu.memref_slice %arg6[%dma_wait3A_80, %dma_wait3A_81, %dma_wait3A_82] : memref<3x256x128xf32, #tpu.memory_space<vmem>> -> memref<1x256x128xf32, #tpu.memory_space<vmem>>
    %dma_wait3A_84 = tpu.memref_squeeze %dma_wait3A_83 : memref<1x256x128xf32, #tpu.memory_space<vmem>> -> memref<256x128xf32, #tpu.memory_space<vmem>>
    %dma_wait3A_85 = arith.constant 0 : i32
    %dma_wait3A_86 = arith.constant 0 : i32
    %dma_wait3A_87 = tpu.memref_slice %arg4[%dma_wait3A_85, %dma_wait3A_86] : memref<819200x128xf32, #tpu.memory_space<hbm>> -> memref<256x128xf32, #tpu.memory_space<hbm>>
    %dma_wait3A_88 = arith.constant 0 : i32
    %dma_wait3A_89 = arith.constant 0 : i32
    %dma_wait3A_90 = tpu.memref_slice %arg4[%dma_wait3A_88, %dma_wait3A_89] : memref<819200x128xf32, #tpu.memory_space<hbm>> -> memref<256x128xf32, #tpu.memory_space<hbm>>
    %dma_wait3A_91 = arith.constant 0 : i32
    %dma_wait3A_92 = arith.constant 0 : i32
    %dma_wait3A_93 = tpu.memref_slice %arg6[%dma_wait3A_80, %dma_wait3A_91, %dma_wait3A_92] : memref<3x256x128xf32, #tpu.memory_space<vmem>> -> memref<1x256x128xf32, #tpu.memory_space<vmem>>
    %dma_wait3A_94 = tpu.memref_squeeze %dma_wait3A_93 : memref<1x256x128xf32, #tpu.memory_space<vmem>> -> memref<256x128xf32, #tpu.memory_space<vmem>>
    tpu.wait_dma2 semaphore(%arg11 : memref<!tpu.dma_semaphore, #tpu.memory_space<semaphore_mem>>) src(%dma_wait3A_94 : memref<256x128xf32, #tpu.memory_space<vmem>>) dst(%dma_wait3A_90 : memref<256x128xf32, #tpu.memory_space<hbm>>)
    %dma_wait3A_95 = arith.constant 2 : i32
    %dma_wait3A_96 = arith.constant 0 : i32
    %dma_wait3A_97 = arith.constant 0 : i32
    %dma_wait3A_98 = tpu.memref_slice %arg6[%dma_wait3A_95, %dma_wait3A_96, %dma_wait3A_97] : memref<3x256x128xf32, #tpu.memory_space<vmem>> -> memref<1x256x128xf32, #tpu.memory_space<vmem>>
    %dma_wait3A_99 = tpu.memref_squeeze %dma_wait3A_98 : memref<1x256x128xf32, #tpu.memory_space<vmem>> -> memref<256x128xf32, #tpu.memory_space<vmem>>
    %dma_wait3A_100 = arith.constant 0 : i32
    %dma_wait3A_101 = arith.constant 0 : i32
    %dma_wait3A_102 = tpu.memref_slice %arg4[%dma_wait3A_100, %dma_wait3A_101] : memref<819200x128xf32, #tpu.memory_space<hbm>> -> memref<256x128xf32, #tpu.memory_space<hbm>>
    %dma_wait3A_103 = arith.constant 0 : i32
    %dma_wait3A_104 = arith.constant 0 : i32
    %dma_wait3A_105 = tpu.memref_slice %arg4[%dma_wait3A_103, %dma_wait3A_104] : memref<819200x128xf32, #tpu.memory_space<hbm>> -> memref<256x128xf32, #tpu.memory_space<hbm>>
    %dma_wait3A_106 = arith.constant 0 : i32
    %dma_wait3A_107 = arith.constant 0 : i32
    %dma_wait3A_108 = tpu.memref_slice %arg6[%dma_wait3A_95, %dma_wait3A_106, %dma_wait3A_107] : memref<3x256x128xf32, #tpu.memory_space<vmem>> -> memref<1x256x128xf32, #tpu.memory_space<vmem>>
    %dma_wait3A_109 = tpu.memref_squeeze %dma_wait3A_108 : memref<1x256x128xf32, #tpu.memory_space<vmem>> -> memref<256x128xf32, #tpu.memory_space<vmem>>
    tpu.wait_dma2 semaphore(%arg12 : memref<!tpu.dma_semaphore, #tpu.memory_space<semaphore_mem>>) src(%dma_wait3A_109 : memref<256x128xf32, #tpu.memory_space<vmem>>) dst(%dma_wait3A_105 : memref<256x128xf32, #tpu.memory_space<hbm>>)
    return
  }
}

</mosaic_0001>

<sc_bundles>
// kernel: kernel.3.cloned.1.call-start
scs
__scs_entry_jumppad:
0x0: {  	(pc) =	sbr.rel $0x88, $3  }
0x1: {  	(tag) =	ssettag $0x0;
	lr =	simm.s32 $0x1  }
0x2: {  	[smem:$0x3F9F] =	sst lr;
	_ =	strace $0xD0000000  }
0x3: {  	_ = 	snop  }
0x4: {  	_ = 	snop  }
0x5: {  	_ = 	snop  }
0x6: {  	_ = 	snop  }
0x7: {  	_ = 	snop  }
__scs_overlays_trampoline_lowered:
0x8: {  	[smem:$0x3FAE] =	sst s0  }
0x9: {  	[smem:$0x3FAF] =	sst s1  }
0xa: {  	[smem:$0x3FB0] =	sst s2  }
0xb: {  	[smem:$0x3FB1] =	sst s3  }
0xc: {  	[smem:$0x3FB2] =	sst s4  }
0xd: {  	[smem:$0x3FB3] =	sst s5  }
0xe: {  	[smem:$0x3FB4] =	sst s6  }
0xf: {  	[smem:$0x3FB5] =	sst s7  }
0x10: {  	[smem:$0x3FB6] =	sst s8  }
0x11: {  	[smem:$0x3FB7] =	sst s9;
	s0 =	simm.s32 @!p0 $0x0  }
0x12: {  	s1 =	sld [smem:$0x3F9D];
	s0 =	simm.s32 @p0 $0x1  }
0x13: {  	[smem:$0x3FB8] =	sst s0;
	s0 =	simm.s32 @!p1 $0x0  }
0x14: {  	s2 =	sld [smem:$0x3F9C];
	s0 =	simm.s32 @p1 $0x1  }
0x15: {  	[smem:$0x3FB9] =	sst s0;
	s0 =	simm.s32 @!p2 $0x0  }
0x16: {  	s3 =	sld [smem:$0x3FDB];
	s0 =	simm.s32 @p2 $0x1  }
0x17: {  	s4 =	simm.s32 $0x1BF5;
	[smem:$0x3FBB] =	sst s0  }
0x18: {  	s0 =	sld [smem:$0x3F9E];
	_ =	swait.ge [sflag:s4], $0x0  }
0x19: {  	s7 =	sld [smem:$0x3F9F]  }
0x1a: {  	s8 =	sadd.s32 $0xFFFFE003, lr  }
0x1b: {  	s9 =	sadd.s32 $0xFFFFFEF7, lr;
	s5 =	simm.s32 $0xFFFFFFFF;
	p2 =	slt.u32 s8, $0xFFFFF086  }
0x1c: {  	p1 =	slt.u32 s9, $0xF7A;
	s5 =	simm.s32 @!p2 $0x0  }
0x1d: {  	s5 =	simm.s32 @p1 $0x1;
	p0 =	seq.s32 s7, s2  }
0x1e: {  	s7 =	smul.u32 @!p0 $0xF7A, s2;
	p2 =	seq.s32 @!p0 s5, $0x0  }
0x1f: {  	s9 =	smul.u32 $0xF7A, s1;
	s8 =	simm.s32 @!p0 $0x1BF5;
	p2 =	por !p2, p0  }
0x20: {  	[sflag:s8] =	ssyncset.s32 @!p0 $0xFFFFF086;
	s6 =	sadd.s32 @!p0 s3, s7;
	s7 =	simm.s32 @!p0 $0x108  }
0x21: {  	s3 =	sadd.s32 s3, s9;
	s6 =	sadd.s32 @!p0 $0x88, s6;
	s7 =	simm.s32 @p2 $0x1082  }
0x22: {  	[simem:s7], [sflag:s8] =	dma.local @!p0 [hbm:s6], $0xF7A  }
0x23: {  	s9 =	sor.u32 $0xD0000000, s2;
	s6 =	simm.s32 $0x108;
	_ =	swait.ge @!p0 [sflag:s8], $0x0  }
0x24: {  	s3 =	sadd.s32 $0x88, s3;
	s6 =	simm.s32 @!p1 $0x1082;
	[sflag:s4] =	ssyncset.s32 $0xFFFFF086  }
0x25: {  	[simem:s6], [sflag:s4] =	dma.local [hbm:s3], $0xF7A  }
0x26: {  	[smem:$0x3F9F] =	sst s1;
	(tag) =	ssettag s2;
	_ =	strace s9  }
0x27: {  	s1 =	sld [smem:$0x3FAF]  }
0x28: {  	s2 =	sld [smem:$0x3FB0]  }
0x29: {  	s4 =	sld [smem:$0x3FB2]  }
0x2a: {  	p0 =	seq.s32 s5, $0x0;
	s5 =	sld [smem:$0x3FB3]  }
0x2b: {  	s6 =	sld [smem:$0x3FB4]  }
0x2c: {  	s7 =	sld [smem:$0x3FB5]  }
0x2d: {  	s3 =	simm.s32 $0x108;
	s8 =	sld [smem:$0x3FB6]  }
0x2e: {  	s3 =	simm.s32 @!p0 $0x1082;
	s9 =	sld [smem:$0x3FB7]  }
0x2f: {  	lr =	sadd.s32 s0, s3;
	s0 =	sld [smem:$0x3FAE]  }
0x30: {  	s3 =	sld [smem:$0x3FB1]  }
0x31: {  	[smem:$0x3FBA] =	sst s10  }
0x32: {  	s10 =	sld [smem:$0x3FB8];
	_ =	sdelay $0x3  }
0x33: {  	p0 =	seq.s32 s10, $0x1;
	s10 =	sld [smem:$0x3FBA];
	_ =	sdelay $0x3  }
0x34: {  	[smem:$0x3FBA] =	sst s10  }
0x35: {  	s10 =	sld [smem:$0x3FB9];
	_ =	sdelay $0x3  }
0x36: {  	p1 =	seq.s32 s10, $0x1;
	s10 =	sld [smem:$0x3FBA];
	_ =	sdelay $0x3  }
0x37: {  	[smem:$0x3FBA] =	sst s10  }
0x38: {  	s10 =	sld [smem:$0x3FBB]  }
0x39: {  	_ = 	snop;
	(pc) =	sbr.ind lr, $3  }
0x3a: {  	_ = 	snop  }
0x3b: {  	_ = 	snop  }
0x3c: {  	p2 =	seq.s32 s10, $0x1;
	s10 =	sld [smem:$0x3FBA]  }
0x3d: {  	_ =	shalt  }
0x3e: {  	_ =	shalt  }
0x3f: {  	_ =	shalt  }
0x40: {  	_ =	shalt  }
0x41: {  	_ =	shalt  }
0x42: {  	_ =	shalt  }
0x43: {  	_ =	shalt  }
0x44: {  	_ =	shalt  }
0x45: {  	_ =	shalt  }
0x46: {  	_ =	shalt  }
0x47: {  	_ =	shalt  }
0x48: {  	_ =	shalt  }
0x49: {  	_ =	shalt  }
0x4a: {  	_ =	shalt  }
0x4b: {  	_ =	shalt  }
0x4c: {  	_ =	shalt  }
0x4d: {  	_ =	shalt  }
0x4e: {  	_ =	shalt  }
0x4f: {  	_ =	shalt  }
0x50: {  	_ =	shalt  }
0x51: {  	_ =	shalt  }
0x52: {  	_ =	shalt  }
0x53: {  	_ =	shalt  }
0x54: {  	_ =	shalt  }
0x55: {  	_ =	shalt  }
0x56: {  	_ =	shalt  }
0x57: {  	_ =	shalt  }
0x58: {  	_ =	shalt  }
0x59: {  	_ =	shalt  }
0x5a: {  	_ =	shalt  }
0x5b: {  	_ =	shalt  }
0x5c: {  	_ =	shalt  }
0x5d: {  	_ =	shalt  }
0x5e: {  	_ =	shalt  }
0x5f: {  	_ =	shalt  }
0x60: {  	_ =	shalt  }
0x61: {  	_ =	shalt  }
0x62: {  	_ =	shalt  }
0x63: {  	_ =	shalt  }
0x64: {  	_ =	shalt  }
0x65: {  	_ =	shalt  }
0x66: {  	_ =	shalt  }
0x67: {  	_ =	shalt  }
0x68: {  	_ =	shalt  }
0x69: {  	_ =	shalt  }
0x6a: {  	_ =	shalt  }
0x6b: {  	_ =	shalt  }
0x6c: {  	_ =	shalt  }
0x6d: {  	_ =	shalt  }
0x6e: {  	_ =	shalt  }
0x6f: {  	_ =	shalt  }
0x70: {  	_ =	shalt  }
0x71: {  	_ =	shalt  }
0x72: {  	_ =	shalt  }
0x73: {  	_ =	shalt  }
0x74: {  	_ =	shalt  }
0x75: {  	_ =	shalt  }
0x76: {  	_ =	shalt  }
0x77: {  	_ =	shalt  }
0x78: {  	_ =	shalt  }
0x79: {  	_ =	shalt  }
0x7a: {  	_ =	shalt  }
0x7b: {  	_ =	shalt  }
0x7c: {  	_ =	shalt  }
0x7d: {  	_ =	shalt  }
0x7e: {  	_ =	shalt  }
0x7f: {  	_ =	shalt  }
0x80: {  	_ =	shalt  }
0x81: {  	_ =	shalt  }
0x82: {  	_ =	shalt  }
0x83: {  	_ =	shalt  }
0x84: {  	_ =	shalt  }
0x85: {  	_ =	shalt  }
0x86: {  	_ =	shalt  }
0x87: {  	_ =	shalt  }
.Lfunc_end0:
.L_simem_size_0:
called_computation_lowered:
.L_overlay_start_0:
0x88: {  	s2 =	sld [smem:$0x3FD9]  }
0x89: {  	s3 =	sld [smem:$0x3FFE];
	_ =	sdelay $0x1  }
0x8a: {  	s1 =	srdreg.scid  }
0x8b: {  	s0 =	sand.u32 $0x1, s1  }
0x8c: {  	s17 =	sshll.u32 s0, $0xA;
	s2 =	sadd.s32 s3, s2  }
0x8d: {  	s2 =	sadd.s32 s2, s17  }
0x8e: {  	[smem:$0x3FC6] =	sst s2  }
0x8f: {  	_ = 	snop  }
0x90: {  	s2 =	sld [smem:$0x3FC8]  }
0x91: {  	s18 =	sld [smem:$0x3FD0];
	(tm) =	ssettm $0x1  }
0x92: {  	s4 =	sld [smem:$0x3FFB];
	_ =	sdelay $0x3  }
0x93: {  	_ =	strace s4  }
0x94: {  	s4 =	sld [smem:$0x3FFC];
	_ =	sdelay $0x3  }
0x95: {  	_ =	strace s4  }
0x96: {  	s4 =	sld [smem:$0x3FFD];
	_ =	sdelay $0x3  }
0x97: {  	_ =	strace s4  }
0x98: {  	_ =	strace $0x8FFFFFFF  }
0x99: {  	s19 =	sld [smem:$0x3FDB];
	_ =	sdelay $0x1  }
0x9a: {  	s5 =	simm.s32 $_scs_section_size  }
0x9b: {  	s6 =	simm.s32 $_size__tile_overlayer_lowered;
	s7 =	simm.s32 $_tile_overlayer_lowered  }
0x9c: {  	s22 =	simm.s32 $0x1BFF;
	s21 =	sshll.u32 s7, $0x1;
	s4 =	sadd.s32 s5, s19  }
0x9d: {  	s8 =	simm.s32 $0x0;
	s20 =	sshll.u32 s6, $0x1;
	s6 =	sadd.s32 s21, s4  }
0x9e: {  	[timem:s8], [sflag:s22] =	dma.local [hbm:s6], s20  }
0x9f: {  	_ =	swait.ge [sflag:s22], s20  }
0xa0: {  	s5 =	ssub.s32 $0x0, s20;
	[sflag:s22] =	ssyncset.done $0x0  }
0xa1: {  	[sflag:s22] =	ssyncadd.s32 s5;
	_ =	sdelay $0x1  }
0xa2: {  	s23 =	simm.s32 $0x1B8B  }
0xa3: {  	_ =	swait.ge [sflag:s23], $0x1  }
0xa4: {  	[sflag:s23] =	ssyncset.done $0x0  }
0xa5: {  	s25 =	simm.s32 $0x1B8E;
	s24 =	sld [smem:$0x3FFE];
	[sflag:s23] =	ssyncadd.s32 $0xFFFFFFFF  }
0xa6: {  	s26 =	simm.s32 $execute0_lowered;
	[smem:$0x3FD2] =	sst s25  }
0xa7: {  	s6 =	sshll.u32 s26, $0x1;
	_ =	strace $0x80000046;
	[dreg:$0x1] =	wrdreg $0xFFFFFFFF  }
0xa8: {  	s28 =	simm.s32 $_size_execute0_lowered;
	s4 =	sadd.s32 s4, s6;
	[dreg:$0x0] =	wrdreg $0x0  }
0xa9: {  	s6 =	sshll.u32 s28, $0x1;
	[dreg:$0x2] =	wrdreg s4  }
0xaa: {  	[dreg:$0x3] =	wrdreg s6  }
0xab: {  	[dreg:$0x4] =	wrdreg $0xC0  }
0xac: {  	_ =	task [dreg:s8], $0x5FFFF  }
0xad: {  	[dreg:$0x1] =	wrdreg $0xFFFFFFFF  }
0xae: {  	[dreg:$0x0] =	wrdreg $0x60  }
0xaf: {  	[dreg:$0x2] =	wrdreg s24  }
0xb0: {  	[dreg:$0x3] =	wrdreg s2  }
0xb1: {  	[dreg:$0x4] =	wrdreg s18  }
0xb2: {  	[dreg:$0x5] =	wrdreg $0x9  }
0xb3: {  	_ =	task.clear_ibuf [dreg:s8], $0x6FFFF;
	_ =	strace $0x90000046  }
0xb4: {  	s29 =	simm.s32 $0x9;
	_ =	strace $0x80000048  }
0xb5: {  	_ =	swait.ge [sflag:s29], $0x1  }
0xb6: {  	[sflag:s29] =	ssyncadd.s32 $0xFFFFFFFF  }
0xb7: {  	_ =	strace $0x90000048  }
0xb8: {  	_ =	sfence  }
0xb9: {  	s30 =	sld [smem:$0x0];
	_ =	sdelay $0x2  }
0xba: {  	s31 =	sshll.u32 s1, $0xD;
	s1 =	sshrl.u32 s1, $0x2  }
0xbb: {  	s3 =	sand.u32 $0x4000, s31;
	s1 =	sadd.s32 s1, s30  }
0xbc: {  	s0 =	sor.u32 s3, s0;
	s1 =	sshll.u32 s1, $0x11  }
0xbd: {  	s0 =	sor.u32 s1, s0  }
0xbe: {  	s0 =	sadd.s32 $0x8F2B, s0  }
0xbf: {  	[sflag:s0] =	ssyncadd.remote.s32 $0x1  }
0xc0: {  	_ =	sfence.sel $0xFFFF  }
0xc1: {  	[dreg:$0x0] =	wrdreg $0xFFFFFFFF;
	(pc) =	sbr.abs _section_cstart, $3  }
0xc2: {  	[dreg:$0x1] =	wrdreg $0xFFFFFFFF  }
0xc3: {  	_ =	task.clear_ibuf [dreg:s8], $0x2FFFF;
	_ =	strace $0x9FFFFFFF  }
0xc4: {  	(tm) =	ssettm $0x7FFFFFFF  }
0xc5: {  	_ =	shalt  }
tec
execute0_lowered:
.L_overlay_start_1:
0x0: {  	(tag) =	ssettag $0x1  }
0x1: {  	s1 =	srdreg.scid;
	s4 =	rddreg [dreg:$0x0]  }
0x2: {  	s0 =	stileid.u32;
	s2 =	rddreg [dreg:$0x1]  }
0x3: {  	s8 =	rddreg [dreg:$0x2];
	s3 =	simm.s32 $0x0;
	s13 =	simm.s32 $0x100  }
0x4: {  	s14 =	simm.s32 $0xE400;
	s15 =	simm.s32 $0x180;
	s16 =	simm.s32 $0x12400  }
0x5: {  	s17 =	simm.s32 $0x1;
	s18 =	simm.s32 $0x4;
	s19 =	simm.s32 $0x5  }
0x6: {  	s20 =	simm.s32 $0x6;
	s21 =	simm.s32 $0x0;
	s7 =	smul.u32 $0x640000, s0  }
0x7: {  	s6 =	sand.u32 $0x1, s1;
	s25 =	sshll.u32 s0, $0x1;
	s29 =	smul.u32 $0xC8000, s0  }
0x8: {  	[smem:$0x7FF] =	sst s3;
	s1 =	sor.u32 s6, s25;
	s10 =	smul.u32 $0x320000, s6  }
0x9: {  	s9 =	ssub.s32 $0x2, s6;
	_ =	strace $0x80000047;
	s5 =	smul.u32 $0xC80, s1  }
0xa: {  	s11 =	smul.u32 $0x64000, s6;
	s26 =	sshrl.u32 s9, $0x1;
	s30 =	sadd.s32 s29, s8  }
0xb: {  	s7 =	sadd.s32 s10, s7;
	s10 =	simm.s32 $0x80;
	s4 =	sadd.s32 s5, s4  }
0xc: {  	s5 =	ssub.s32 s9, s26;
	s28 =	sor.u32 $0x8000, s7;
	s7 =	sor.u32 $0x10000, s7  }
0xd: {  	s4 =	sadd.s32 $0x400, s4;
	s5 =	smax.u32 s5, $0x1;
	s9 =	sshrl.u32 s28, $0x3  }
0xe: {  	s31 =	sshrl.u32 s7, $0x3;
	s7 =	sadd.s32 s11, s30;
	s11 =	simm.s32 $0x6400  }
0xf: {  	s6 =	sadd.s32 s9, s8;
	s8 =	sadd.s32 s31, s8;
	s9 =	simm.s32 $0x7  }
.LBB2_1:
0x10: {  	[tilespmem:s3], [sflag:$0x7] =	stream.linear.gather [hbm4b:s4+s3], $0x6400, $0x38;
	[tilespmem:$0x1E400] =	vst v63  }
0x11: {  	_ =	swait.ge [sflag:s9], $0x6400  }
0x12: {  	[sflag:s9] =	ssyncset.done $0x0  }
0x13: {  	[sflag:s9] =	ssyncadd.s32 $0xFFFF9C00  }
0x14: {  	[tilespmem:s11], [sflag:$0x1] =	stream.indirect.gather [hbm4b:s2+s10], $0x80, s3, s10, $0xb8;
	[tilespmem:$0x1E400] =	vst v63  }
0x15: {  	s0 =	simm.s32 $0xA400  }
0x16: {  	[tilespmem:s0], [sflag:$0x1] =	stream.indirect.gather [hbm4b:s2+s10], $0x80, s10, s10, $0xb8;
	[tilespmem:$0x1E400] =	vst v63  }
0x17: {  	s22 =	simm.s32 $0xFFFFFFFF;
	s23 =	smov.u32 s8;
	s24 =	smov.u32 s7  }
0x18: {  	[tilespmem:s14], [sflag:$0x2] =	stream.indirect.gather [hbm4b:s2+s10], $0x80, s13, s10, $0xb8;
	[tilespmem:$0x1E400] =	vst v63  }
0x19: {  	s25 =	smov.u32 s6;
	s26 =	simm.s32 $0x0;
	s28 =	simm.s32 $0x0  }
0x1a: {  	[tilespmem:s16], [sflag:$0x2] =	stream.indirect.gather [hbm4b:s2+s10], $0x80, s15, s10, $0xb8;
	[tilespmem:$0x1E400] =	vst v63  }
.LBB2_2:
0x1b: {  	p1 =	sgt.u32 s22, $0x60  }
0x1c: {  	s29 =	simm.s32 @!p1 $0x6  }
0x1d: {  	_ =	swait.ge @!p1 [sflag:s29], $0x8000  }
0x1e: {  	p0 =	seq.s32 s26, $0x18C00;
	[sflag:s29] =	ssyncset.done @!p1 $0x0  }
0x1f: {  	[sflag:s29] =	ssyncadd.s32 @!p1 $0xFFFF8000;
	s29 =	sshra.s32 @!p0 s26, $0x2  }
0x20: {  	s31 =	simm.s32 @!p0 $0x80;
	s1 =	simm.s32 @!p0 $0x16400;
	s30 =	sadd.s32 @!p0 $0x200, s29  }
0x21: {  	[tilespmem:s1], [sflag:$0x3] =	stream.indirect.gather @!p0 [hbm4b:s2+s31], $0x80, s30, s31, $0xb8;
	[tilespmem:$0x1E400] =	vst v63  }
0x22: {  	s0 =	simm.s32 @!p0 $0x1A400;
	s30 =	sadd.s32 @!p0 $0x280, s29  }
0x23: {  	[tilespmem:s0], [sflag:$0x3] =	stream.indirect.gather @!p0 [hbm4b:s2+s31], $0x80, s30, s31, $0xb8;
	[tilespmem:$0x1E400] =	vst v63  }
0x24: {  	_ =	swait.ge [sflag:s17], $0x4000  }
0x25: {  	[sflag:s17] =	ssyncset.done $0x0  }
0x26: {  	[sflag:s17] =	ssyncadd.s32 $0xFFFFC000  }
0x27: {  	_ =	swait.ge [sflag:s17], $0x4000  }
0x28: {  	[sflag:s17] =	ssyncset.done $0x0  }
0x29: {  	s0 =	simm.s32 @!p0 $0x4;
	[sflag:s17] =	ssyncadd.s32 $0xFFFFC000  }
0x2a: {  	[hbm4b:s24+s3] =	stream.linear.scatter [tilespmem:s11], [sflag:$0x4], $0x8000, $0x38;
	[tilespmem:$0x1E400] =	vst v63  }
0x2b: {  	_ =	swait.ge @!p0 [sflag:s0], $0x8000  }
0x2c: {  	[sflag:s0] =	ssyncset.done @!p0 $0x0  }
0x2d: {  	s30 =	simm.s32 @!p0 $0x6400;
	[sflag:s0] =	ssyncadd.s32 @!p0 $0xFFFF8000;
	s0 =	sadd.s32 @!p0 $0x300, s29  }
0x2e: {  	[tilespmem:s30], [sflag:$0x1] =	stream.indirect.gather @!p0 [hbm4b:s2+s31], $0x80, s0, s31, $0xb8;
	[tilespmem:$0x1E400] =	vst v63  }
0x2f: {  	s0 =	sadd.s32 @!p0 $0x380, s29;
	s29 =	simm.s32 @!p0 $0xA400  }
0x30: {  	[tilespmem:s29], [sflag:$0x1] =	stream.indirect.gather @!p0 [hbm4b:s2+s31], $0x80, s0, s31, $0xb8;
	[tilespmem:$0x1E400] =	vst v63  }
0x31: {  	s0 =	simm.s32 @!p0 $0x2  }
0x32: {  	_ =	swait.ge @!p0 [sflag:s0], $0x4000  }
0x33: {  	[sflag:s0] =	ssyncset.done @!p0 $0x0  }
0x34: {  	[sflag:s0] =	ssyncadd.s32 @!p0 $0xFFFFC000  }
0x35: {  	p1 =	sgt.u32 @!p0 s28, $0x1F;
	_ =	swait.ge @!p0 [sflag:s0], $0x4000  }
0x36: {  	p1 =	por p1, p0;
	[sflag:s0] =	ssyncset.done @!p0 $0x0  }
0x37: {  	s29 =	simm.s32 @!p0 $0xE400;
	[sflag:s0] =	ssyncadd.s32 @!p0 $0xFFFFC000;
	s0 =	simm.s32 @!p0 $0x0  }
0x38: {  	[hbm4b:s25+s0] =	stream.linear.scatter @!p0 [tilespmem:s29], [sflag:$0x5], $0x8000, $0x38;
	[tilespmem:$0x1E400] =	vst v63  }
0x39: {  	s29 =	simm.s32 @!p1 $0x5  }
0x3a: {  	_ =	swait.ge @!p1 [sflag:s29], $0x8000  }
0x3b: {  	[sflag:s29] =	ssyncset.done @!p1 $0x0  }
0x3c: {  	[sflag:s29] =	ssyncadd.s32 @!p1 $0xFFFF8000;
	s29 =	sshra.s32 @!p1 s26, $0x2  }
0x3d: {  	s12 =	simm.s32 @!p1 $0xE400;
	s31 =	simm.s32 @!p1 $0x80;
	s30 =	sadd.s32 @!p1 $0x400, s29  }
0x3e: {  	[tilespmem:s12], [sflag:$0x2] =	stream.indirect.gather @!p1 [hbm4b:s2+s31], $0x80, s30, s31, $0xb8;
	[tilespmem:$0x1E400] =	vst v63  }
0x3f: {  	s12 =	sadd.s32 @!p1 $0x480, s29;
	s29 =	simm.s32 @!p1 $0x12400  }
0x40: {  	[tilespmem:s29], [sflag:$0x2] =	stream.indirect.gather @!p1 [hbm4b:s2+s31], $0x80, s12, s31, $0xb8;
	[tilespmem:$0x1E400] =	vst v63  }
0x41: {  	s12 =	simm.s32 @!p0 $0x3  }
0x42: {  	s26 =	sadd.s32 @!p0 $0xC00, s26;
	_ =	swait.ge @!p0 [sflag:s12], $0x4000  }
0x43: {  	p1 =	sne.s32 @!p0 s26, $0x19800;
	[sflag:s12] =	ssyncset.done @!p0 $0x0  }
0x44: {  	p1 =	por p0, !p1;
	[sflag:s12] =	ssyncadd.s32 @!p0 $0xFFFFC000  }
.Ltmp0:
0x45: {  	_ =	swait.ge @!p0 [sflag:s12], $0x4000;
	(pc) =	sbr.rel @!p1 .LBB2_2-.Ltmp0, $4  }
0x46: {  	[sflag:s12] =	ssyncset.done @!p0 $0x0  }
0x47: {  	s22 =	sadd.s32 @!p0 $0x3, s22;
	s28 =	sadd.s32 @!p0 $0x1, s28;
	[sflag:s12] =	ssyncadd.s32 @!p0 $0xFFFFC000  }
0x48: {  	[hbm4b:s23+s0] =	stream.linear.scatter @!p0 [tilespmem:s1], [sflag:$0x6], $0x8000, $0x38;
	[tilespmem:$0x1E400] =	vst v63  }
0x49: {  	s24 =	sadd.s32 @!p0 $0x3000, s24;
	s25 =	sadd.s32 @!p0 $0x3000, s25;
	s23 =	sadd.s32 @!p0 $0x3000, s23  }
0x4a: {  	_ =	swait.ge [sflag:s18], $0x8000  }
0x4b: {  	[sflag:s18] =	ssyncset.done $0x0  }
0x4c: {  	s21 =	sadd.s32 $0x1, s21;
	[sflag:s18] =	ssyncadd.s32 $0xFFFF8000  }
0x4d: {  	p0 =	sne.s32 s21, s5;
	_ =	swait.ge [sflag:s19], $0x8000  }
.Ltmp1:
0x4e: {  	[sflag:s19] =	ssyncset.done $0x0;
	(pc) =	sbr.rel @p0 .LBB2_1-.Ltmp1, $4  }
0x4f: {  	[sflag:s19] =	ssyncadd.s32 $0xFFFF8000  }
0x50: {  	_ =	swait.ge [sflag:s20], $0x8000  }
0x51: {  	[sflag:s20] =	ssyncset.done $0x0  }
0x52: {  	[sflag:s20] =	ssyncadd.s32 $0xFFFF8000  }
0x53: {  	_ =	sfence.sel $0x180000  }
0x54: {  	[bflag:$0x0] =	sbarrier.arrive $0xFFFF  }
0x55: {  	_ =	strace $0x90000047  }
0x56: {  	s0 =	stileid.u32;
	[bflag:$0x2] =	sbarrier.arrive $0xFFFF  }
0x57: {  	p0 =	sne.s32 s0, $0x0;
	s0 =	rddreg [dreg:$0x3]  }
0x58: {  	s0 =	sadd.s32 @!p0 $0x100000, s0  }
0x59: {  	[sflag:s0] =	ssyncadd.tile.s32 @!p0 $0x1;
	_ =	shalt  }
.Lfunc_end2:
_tile_overlayer_lowered:
.L_overlay_start_2:
0x5a: {  	(tag) =	ssettag $0x2  }
0x5b: {  	s0 =	rddreg [dreg:$0x0];
	s2 =	stileid.u32  }
0x5c: {  	s1 =	rddreg [dreg:$0x1];
	p0 =	sne.s32 s2, $0x0  }
0x5d: {  	s3 =	rddreg [dreg:$0x2];
	[bflag:$0x3] =	sbarrier.arrive $0xFFFF;
	s2 =	simm.s32 @!p0 $0x1C07  }
0x5e: {  	[timem:s3], [sflag:s2] =	dma.local @!p0 [hbm:s0], s1  }
0x5f: {  	s0 =	simm.s32 @!p0 $0x7  }
0x60: {  	_ =	swait.ge @!p0 [sflag:s0], s1  }
0x61: {  	s1 =	ssub.s32 @!p0 $0x0, s1;
	[sflag:s0] =	ssyncset.done @!p0 $0x0  }
0x62: {  	[sflag:s0] =	ssyncadd.s32 @!p0 s1  }
0x63: {  	[bflag:$0x3] =	sbarrier.arrive $0xFFFF  }
0x64: {  	_ =	shalt  }

</sc_bundles>
